<compile_context>
chip_gen: v7x
topology: tpu7x:2x2x1
jax: 0.10.2.dev20260603
libtpu: 0.0.44.dev20260713+nightly
codegen_flags: <defaults>
</compile_context>

<pallas_src>
import functools

import jax
import jax.numpy as jnp
from jax import lax
from jax.experimental import pallas as pl
from jax.experimental.pallas import tpu as pltpu
from jax.experimental.pallas import tpu_sc as plsc

B = 8
N = 2000
E = 7064
EP = 7168
NQ = 2
QE = EP // NQ
NBIN = 2048
NBLK = 5
RT = N // NBLK
NODE_ROWS = 250
CE_ROWS = 448



def _sc_edge(s_p, d_p, lin_p, lab_p, bim_p, yfr, yfi, vtab, didx):
    mesh = plsc.VectorSubcoreMesh(core_axis_name="c", subcore_axis_name="s",
                                  num_cores=1)

    @functools.partial(
        pl.kernel,
        out_type=(jax.ShapeDtypeStruct((B * NQ, 6, NBIN), jnp.float32),
                  jax.ShapeDtypeStruct((2, NBIN), jnp.float32)),
        mesh=mesh,
        compiler_params=pltpu.CompilerParams(needs_layout_passes=False),
        scratch_types=[
            pltpu.VMEM((QE,), jnp.int32),
            pltpu.VMEM((QE,), jnp.int32),
            pltpu.VMEM((QE,), jnp.int32),
            pltpu.VMEM((QE,), jnp.int32),
            pltpu.VMEM((QE,), jnp.float32),
            pltpu.VMEM((QE,), jnp.float32),
            pltpu.VMEM((QE,), jnp.float32),
            pltpu.VMEM((NBIN,), jnp.float32),
            pltpu.VMEM((NBIN,), jnp.float32),
            pltpu.VMEM((NBIN,), jnp.float32),
            pltpu.VMEM((NBIN,), jnp.float32),
            pltpu.VMEM((NBIN,), jnp.float32),
            pltpu.VMEM((NBIN,), jnp.float32),
            pltpu.VMEM((NBIN,), jnp.float32),
            pltpu.VMEM((NBIN,), jnp.float32),
            pltpu.VMEM((NBIN,), jnp.float32),
            pltpu.VMEM((NBIN,), jnp.float32),
            pltpu.VMEM((NBIN,), jnp.int32),
            pltpu.VMEM((NBIN,), jnp.float32),
            pltpu.SemaphoreType.DMA,
            pltpu.SemaphoreType.DMA,
            pltpu.SemaphoreType.DMA,
        ],
    )
    def sck(s_h, d_h, lin_h, lab_h, bim_h, yfr_h, yfi_h, vtab_h, didx_h,
            seg_h, diag_h,
            s_v, d_v, lin_v, lab_v, yr_v, yi_v, bim_v,
            vro_v, vio_v, vrt_v, vit_v, a0, a1, a2, a3, a4, a5,
            didx_v, db_v, sem, sem2, sem3):
        wid = lax.axis_index("c") * 16 + lax.axis_index("s")
        b = wid // NQ
        q = wid % NQ
        off = q * QE

        @pl.when(wid < 2)
        def _():
            pltpu.sync_copy(didx_h, didx_v)

        @pl.when(wid == 0)
        def _():
            pltpu.async_copy(yfr_h.at[didx_v], db_v, sem2)

        @pl.when(wid == 1)
        def _():
            pltpu.async_copy(yfi_h.at[didx_v], db_v, sem2)

        pltpu.sync_copy(lin_h.at[pl.ds(off, QE)], lin_v)
        cpr = pltpu.async_copy(yfr_h.at[lin_v], yr_v, sem)
        cpi = pltpu.async_copy(yfi_h.at[lin_v], yi_v, sem)
        stage = [
            pltpu.async_copy(s_h.at[pl.ds(off, QE)], s_v, sem3),
            pltpu.async_copy(d_h.at[pl.ds(off, QE)], d_v, sem3),
            pltpu.async_copy(lab_h.at[b, pl.ds(off, QE)], lab_v, sem3),
            pltpu.async_copy(bim_h.at[pl.ds(off, QE)], bim_v, sem3),
            pltpu.async_copy(vtab_h.at[b, 0, 0], vro_v, sem3),
            pltpu.async_copy(vtab_h.at[b, 0, 1], vio_v, sem3),
            pltpu.async_copy(vtab_h.at[b, 1, 0], vrt_v, sem3),
            pltpu.async_copy(vtab_h.at[b, 1, 1], vit_v, sem3),
        ]

        @plsc.parallel_loop(0, NBIN // 16, 1, unroll=8)
        def zero(k):
            z = jnp.zeros((16,), jnp.float32)
            sl = pl.ds(k * 16, 16)
            a0[sl] = z
            a1[sl] = z
            a2[sl] = z
            a3[sl] = z
            a4[sl] = z
            a5[sl] = z
        for c in stage:
            c.wait()
        cpr.wait()
        cpi.wait()

        @plsc.parallel_loop(0, QE // 16, 1, unroll=8)
        def body(i):
            sl = pl.ds(i * 16, 16)
            msk = lab_v[sl] == 0
            yr = yr_v[sl]
            yi = yi_v[sl]
            s = s_v[sl]
            d = d_v[sl]
            plsc.addupdate_scatter(a0, [s], jnp.where(msk, yr, 0.0))
            plsc.addupdate_scatter(a1, [s],
                                   jnp.where(msk, yi - bim_v[sl], 0.0))
            keep = msk & (jnp.abs(yr) >= 0.001)
            mr = jnp.where(keep, yr, 0.0)
            mi = jnp.where(keep, yi, 0.0)
            vro = plsc.load_gather(vro_v, [d])
            vio = plsc.load_gather(vio_v, [d])
            vrt = plsc.load_gather(vrt_v, [d])
            vit = plsc.load_gather(vit_v, [d])
            plsc.addupdate_scatter(a2, [s], mr * vro - mi * vio)
            plsc.addupdate_scatter(a3, [s], mr * vio + mi * vro)
            plsc.addupdate_scatter(a4, [s], mr * vrt - mi * vit)
            plsc.addupdate_scatter(a5, [s], mr * vit + mi * vrt)

        outs = [
            pltpu.async_copy(a0, seg_h.at[wid, 0], sem3),
            pltpu.async_copy(a1, seg_h.at[wid, 1], sem3),
            pltpu.async_copy(a2, seg_h.at[wid, 2], sem3),
            pltpu.async_copy(a3, seg_h.at[wid, 3], sem3),
            pltpu.async_copy(a4, seg_h.at[wid, 4], sem3),
            pltpu.async_copy(a5, seg_h.at[wid, 5], sem3),
        ]

        @pl.when(wid == 0)
        def _():
            pltpu.make_async_copy(yfr_h.at[didx_v], db_v, sem2).wait()
            pltpu.sync_copy(db_v, diag_h.at[0])

        @pl.when(wid == 1)
        def _():
            pltpu.make_async_copy(yfi_h.at[didx_v], db_v, sem2).wait()
            pltpu.sync_copy(db_v, diag_h.at[1])

        for c in outs:
            c.wait()

    return sck(s_p, d_p, lin_p, lab_p, bim_p, yfr, yfi, vtab, didx)



def _tc_body(yr_ref, yi_ref, vr_ref, vi_ref, nod_ref, nol_ref,
             a_ref, b_ref, l_ref, seg_ref, diag_ref, out_ref,
             pr_s, pi_s, acc_s):
    i = pl.program_id(0)

    @pl.when(i < NBLK)
    def _():
        yr = yr_ref[...]
        yi = yi_ref[...]
        thr = jnp.abs(yr) >= 0.001
        mr = jnp.where(thr, yr, 0.0)
        mi = jnp.where(thr, yi, 0.0)
        vr = vr_ref[...]
        vi = vi_ref[...]
        sl = pl.ds(i * RT, RT)
        pr_s[sl, :] = (jnp.dot(mr, vr, preferred_element_type=jnp.float32)
                       - jnp.dot(mi, vi, preferred_element_type=jnp.float32))
        pi_s[sl, :] = (jnp.dot(mr, vi, preferred_element_type=jnp.float32)
                       + jnp.dot(mi, vr, preferred_element_type=jnp.float32))

    @pl.when(i == 0)
    def _():
        nd = nod_ref[...] - nol_ref[...]
        acc_s[0] = jnp.sum(nd * nd)
        a = a_ref[...]
        bb = b_ref[...]
        m = jnp.maximum(a, bb)
        lse = m + jnp.log(jnp.exp(a - m) + jnp.exp(bb - m))
        pick = jnp.where(l_ref[...] == 0, a, bb)
        acc_s[1] = jnp.sum(lse - pick)

    @pl.when(i == NBLK)
    def _():
        seg = seg_ref[...].reshape(8, NQ, 6, NBIN)
        acc = jnp.sum(seg, axis=1)
        dsr = acc[:, 0, :N]
        dsi = acc[:, 1, :N]
        eor = acc[:, 2, :N]
        eoi = acc[:, 3, :N]
        etr = acc[:, 4, :N]
        eti = acc[:, 5, :N]

        dgr = diag_ref[0:1, :N]
        dgi = diag_ref[1:2, :N]
        Dr = dgr + dsr
        Di = dgi + dsi
        keep = jnp.abs(Dr) >= 0.001
        Tr = jnp.where(keep, Dr, 0.0)
        Ti = jnp.where(keep, Di, 0.0)
        mk = jnp.abs(dgr) >= 0.001
        dcr = Tr - jnp.where(mk, dgr, 0.0)
        dci = Ti - jnp.where(mk, dgi, 0.0)

        prt = jnp.transpose(pr_s[...])
        pit = jnp.transpose(pi_s[...])
        vrT = jnp.transpose(vr_ref[...])
        viT = jnp.transpose(vi_ref[...])
        vor = vrT[0:8]
        voi = viT[0:8]
        vtr = vrT[8:16]
        vti = viT[8:16]

        YVro = prt[0:8] + dcr * vor - dci * voi - eor
        YVio = pit[0:8] + dcr * voi + dci * vor - eoi
        YVrt = prt[8:16] + dcr * vtr - dci * vti - etr
        YVit = pit[8:16] + dcr * vti + dci * vtr - eti
        Sro = vor * YVro + voi * YVio
        Sio = voi * YVro - vor * YVio
        Srt = vtr * YVrt + vti * YVit
        Sit = vti * YVrt - vtr * YVit
        dR = Sro - Srt
        dI = Sio - Sit
        part = jnp.sum(dR * dR) + jnp.sum(dI * dI)

        pi_loss = part / (B * N * 2)
        node_loss = acc_s[0] / (B * N * 2)
        edge_loss = acc_s[1] / (B * E)
        out_ref[0] = node_loss + 0.5 * edge_loss + 0.1 * pi_loss
        out_ref[1] = node_loss
        out_ref[2] = edge_loss
        out_ref[3] = pi_loss


def _tc_all(Yr, Yi, Vr16, Vi16, nod, nol, a2, b2, l2, seg_q, diag_out):
    yrow = lambda i: (jnp.minimum(i, NBLK - 1), 0)
    full = lambda i: (0, 0)
    return pl.pallas_call(
        _tc_body,
        grid=(NBLK + 1,),
        in_specs=[
            pl.BlockSpec((RT, N), yrow),
            pl.BlockSpec((RT, N), yrow),
            pl.BlockSpec((N, 16), full),
            pl.BlockSpec((N, 16), full),
            pl.BlockSpec((NODE_ROWS, 128), full),
            pl.BlockSpec((NODE_ROWS, 128), full),
            pl.BlockSpec((CE_ROWS, 128), full),
            pl.BlockSpec((CE_ROWS, 128), full),
            pl.BlockSpec((CE_ROWS, 128), full),
            pl.BlockSpec((B * NQ, 6, NBIN), lambda i: (0, 0, 0)),
            pl.BlockSpec((2, NBIN), full),
        ],
        out_specs=pl.BlockSpec(memory_space=pltpu.SMEM),
        out_shape=jax.ShapeDtypeStruct((4,), jnp.float32),
        scratch_shapes=[
            pltpu.VMEM((N, 16), jnp.float32),
            pltpu.VMEM((N, 16), jnp.float32),
            pltpu.SMEM((2,), jnp.float32),
        ],
    )(Yr, Yi, Vr16, Vi16, nod, nol, a2, b2, l2, seg_q, diag_out)



def kernel(node_output, edge_output, node_labels, edge_labels, edge_index,
           Y_raw_real, Y_raw_imag, b_imag):
    src = edge_index[0].astype(jnp.int32)
    dst = edge_index[1].astype(jnp.int32)
    lab_i = edge_labels.astype(jnp.int32)

    pad = EP - E
    s_p = jnp.pad(src, (0, pad), constant_values=N)
    d_p = jnp.pad(dst, (0, pad), constant_values=0)
    lin2 = jnp.pad(src * N + dst, (0, pad))
    lab_p = jnp.pad(lab_i, ((0, 0), (0, pad)), constant_values=1)
    bim_p = jnp.pad(b_imag, (0, pad))

    no2 = node_output.reshape(B, N, 2)
    nl2 = node_labels.reshape(B, N, 2)
    V4 = jnp.transpose(jnp.stack([no2, nl2], axis=1), (0, 1, 3, 2))
    vtab = jnp.pad(V4, ((0, 0), (0, 0), (0, 0), (0, NBIN - N)))
    didx2 = jnp.clip(jnp.arange(NBIN, dtype=jnp.int32), 0, N - 1) * (N + 1)

    Vr16 = jnp.concatenate([no2[..., 0].T, nl2[..., 0].T], axis=1)
    Vi16 = jnp.concatenate([no2[..., 1].T, nl2[..., 1].T], axis=1)

    cpad = CE_ROWS * 128 - B * E
    a2 = jnp.pad(edge_output[:, 0], (0, cpad)).reshape(CE_ROWS, 128)
    b2 = jnp.pad(edge_output[:, 1], (0, cpad),
                 constant_values=-1e30).reshape(CE_ROWS, 128)
    l2 = jnp.pad(lab_i.reshape(-1), (0, cpad)).reshape(CE_ROWS, 128)
    nod = node_output.reshape(NODE_ROWS, 128)
    nol = node_labels.reshape(NODE_ROWS, 128)

    seg_q, diag_out = _sc_edge(s_p, d_p, lin2, lab_p, bim_p,
                               Y_raw_real.reshape(-1), Y_raw_imag.reshape(-1),
                               vtab, didx2)

    return _tc_all(Y_raw_real, Y_raw_imag, Vr16, Vi16,
                   nod, nol, a2, b2, l2, seg_q, diag_out)

# --- scband reference (transcript-rebuilt; emitter-appended) ---
"""Pipeline reference for scband-state-loss-power-injection-54631984005295 (READ-ONLY COPY).

The authoritative reference and input builder live on the scoring server;
editing this copy changes nothing except your own understanding.
"""

import jax, jax.numpy as jnp
import numpy as np

B = 8
N = 2000
E = 7064
EDGE_FACTOR = 0.5
PI_FACTOR = 0.1


def setup_inputs(seed: int = 0) -> dict:
    key = jax.random.key(seed)
    ks = jax.random.split(key, 8)
    node_output = jax.random.normal(ks[0], (B * N, 2), dtype=jnp.float32)
    edge_output = jax.random.normal(ks[1], (B * E, 2), dtype=jnp.float32)
    node_labels = jax.random.normal(ks[2], (B * N, 2), dtype=jnp.float32)
    edge_labels = jax.random.randint(ks[3], (B, E), 0, 2).astype(jnp.int64)
    # static grid data (stands in for data_static.pt / pwsdata.mat):
    # unique off-diagonal (src, dst) pairs so the sequential Y-update loop
    # in the original module is exactly reproduced by vectorized updates.
    rng = np.random.default_rng(0)
    lin = rng.choice(N * N, size=E * 2 + 4000, replace=False)
    s = lin // N
    d = lin % N
    keep = s != d
    s = s[keep][:E]
    d = d[keep][:E]
    edge_index = jnp.asarray(np.stack([s, d]).astype(np.int64))
    Y_raw_real = jax.random.normal(ks[4], (N, N), dtype=jnp.float32) * 0.1
    Y_raw_imag = jax.random.normal(ks[5], (N, N), dtype=jnp.float32) * 0.1
    b_imag = jax.random.normal(ks[6], (E,), dtype=jnp.float32) * 0.05
    return {
        'node_output': node_output,
        'edge_output': edge_output,
        'node_labels': node_labels,
        'edge_labels': edge_labels,
        'edge_index': edge_index,
        'Y_raw_real': Y_raw_real,
        'Y_raw_imag': Y_raw_imag,
        'b_imag': b_imag,
    }


def reference(node_output, edge_output, node_labels, edge_labels, edge_index, Y_raw_real, Y_raw_imag, b_imag):
    Y_raw = jax.lax.complex(Y_raw_real, Y_raw_imag)
    b_edge = jax.lax.complex(jnp.zeros_like(b_imag), b_imag)  # jb/2 shunt, purely imaginary
    src = edge_index[0]
    dst = edge_index[1]
    czero = jnp.zeros((), dtype=Y_raw.dtype)

    # node MSE loss
    node_loss = jnp.mean((node_output - node_labels) ** 2)

    # edge cross-entropy loss (mean)
    labels = edge_labels.reshape(-1)
    logp = jax.nn.log_softmax(edge_output, axis=-1)
    edge_loss = -jnp.mean(jnp.take_along_axis(logp, labels[:, None], axis=1))

    def build_Y(preds):
        # inactive edges: preds == 0; only i != j edges modify Y
        mask = (preds == 0) & (src != dst)
        y_ij = Y_raw[src, dst]
        offdiag_delta = jnp.where(mask, -y_ij, czero)
        diag_add = jnp.where(mask, y_ij - b_edge, czero)
        Y = Y_raw.at[src, dst].add(offdiag_delta)  # Y[i, j] = 0 for inactive edges
        Y = Y.at[src, src].add(diag_add)           # Y[i, i] += y_ij - b_edge_attr
        Y = jnp.where(jnp.abs(Y.real) < 0.001, czero, Y)
        return Y

    def calc_S(node_vals):
        S_all = []
        for i in range(B):
            Y_i = build_Y(edge_labels[i])
            Vri = node_vals[i * N:(i + 1) * N, :]
            V = jax.lax.complex(Vri[:, 0], Vri[:, 1])
            YV = Y_i @ V
            S_all.append(V * jnp.conj(YV))
        return jnp.stack(S_all)

    S = calc_S(node_output)
    S_true = calc_S(node_labels)

    def view_as_real(x):
        return jnp.stack([x.real, x.imag], axis=-1)

    PI_loss = jnp.mean((view_as_real(S) - view_as_real(S_true)) ** 2)
    loss = node_loss + EDGE_FACTOR * edge_loss + PI_FACTOR * PI_loss
    return jnp.stack([loss, node_loss, edge_loss, PI_loss])

if __name__ == "__main__":
    import jax
    _d = setup_inputs()
    print(jax.jit(kernel)(*tuple(_d.values())))

</pallas_src>

<mosaic_0001>
#map = affine_map<(d0, d1) -> (0)>
#map1 = affine_map<(d0, d1) -> (0, 0)>
#map2 = affine_map<(d0, d1) -> (0, 0, 0, 0)>
#map3 = affine_map<(d0, d1) -> (0, 0, 0)>
module attributes {stable_mosaic.version = 14 : i64} {
  func.func @sck(%arg0: i32, %arg1: i32, %arg2: memref<7168xi32, #tpu.memory_space<hbm>>, %arg3: memref<7168xi32, #tpu.memory_space<hbm>>, %arg4: memref<7168xi32, #tpu.memory_space<hbm>>, %arg5: memref<8x7168xi32, #tpu.memory_space<hbm>>, %arg6: memref<7168xf32, #tpu.memory_space<hbm>>, %arg7: memref<4000000xf32, #tpu.memory_space<hbm>>, %arg8: memref<4000000xf32, #tpu.memory_space<hbm>>, %arg9: memref<8x2x2x2048xf32, #tpu.memory_space<hbm>>, %arg10: memref<2048xi32, #tpu.memory_space<hbm>>, %arg11: memref<16x6x2048xf32, #tpu.memory_space<hbm>>, %arg12: memref<2x2048xf32, #tpu.memory_space<hbm>>, %arg13: memref<3584xi32, #tpu.memory_space<vmem>>, %arg14: memref<3584xi32, #tpu.memory_space<vmem>>, %arg15: memref<3584xi32, #tpu.memory_space<vmem>>, %arg16: memref<3584xi32, #tpu.memory_space<vmem>>, %arg17: memref<3584xf32, #tpu.memory_space<vmem>>, %arg18: memref<3584xf32, #tpu.memory_space<vmem>>, %arg19: memref<3584xf32, #tpu.memory_space<vmem>>, %arg20: memref<2048xf32, #tpu.memory_space<vmem>>, %arg21: memref<2048xf32, #tpu.memory_space<vmem>>, %arg22: memref<2048xf32, #tpu.memory_space<vmem>>, %arg23: memref<2048xf32, #tpu.memory_space<vmem>>, %arg24: memref<2048xf32, #tpu.memory_space<vmem>>, %arg25: memref<2048xf32, #tpu.memory_space<vmem>>, %arg26: memref<2048xf32, #tpu.memory_space<vmem>>, %arg27: memref<2048xf32, #tpu.memory_space<vmem>>, %arg28: memref<2048xf32, #tpu.memory_space<vmem>>, %arg29: memref<2048xf32, #tpu.memory_space<vmem>>, %arg30: memref<2048xi32, #tpu.memory_space<vmem>>, %arg31: memref<2048xf32, #tpu.memory_space<vmem>>, %arg32: memref<!tpu.dma_semaphore, #tpu.memory_space<semaphore_mem>>, %arg33: memref<!tpu.dma_semaphore, #tpu.memory_space<semaphore_mem>>, %arg34: memref<!tpu.dma_semaphore, #tpu.memory_space<semaphore_mem>>) attributes {dimension_semantics = [#tpu.dimension_semantics<core_parallel>, #tpu.dimension_semantics<subcore_parallel>], iteration_bounds = array<i64: 1, 16>, scalar_prefetch = 0 : i64, scratch_operands = 22 : i64, tpu.core_type = #tpu.core_type<sc_vector_subcore>, window_params = [{transform_indices = #map}, {transform_indices = #map}, {transform_indices = #map}, {transform_indices = #map1}, {transform_indices = #map}, {transform_indices = #map}, {transform_indices = #map}, {transform_indices = #map2}, {transform_indices = #map}, {transform_indices = #map3}, {transform_indices = #map1}]} {
    %mul3A = arith.constant 16 : i32
    %mul3A_0 = arith.muli %arg0, %mul3A : i32
    %add3A = arith.addi %mul3A_0, %arg1 : i32
    %jit3A = arith.constant 2 : i32
    %div3A = arith.divsi %add3A, %jit3A : i32
    %sign3A = arith.constant 0 : i32
    %sign3A_1 = arith.cmpi sgt, %add3A, %sign3A : i32
    %sign3A_2 = arith.extui %sign3A_1 : i1 to i32
    %sign3A_3 = arith.constant 0 : i32
    %sign3A_4 = arith.cmpi slt, %add3A, %sign3A_3 : i32
    %sign3A_5 = arith.extui %sign3A_4 : i1 to i32
    %sign3A_6 = arith.subi %sign3A_2, %sign3A_5 : i32
    %sign3A_7 = arith.constant 0 : i32
    %sign3A_8 = arith.cmpi sgt, %jit3A, %sign3A_7 : i32
    %sign3A_9 = arith.extui %sign3A_8 : i1 to i32
    %sign3A_10 = arith.constant 0 : i32
    %sign3A_11 = arith.cmpi slt, %jit3A, %sign3A_10 : i32
    %sign3A_12 = arith.extui %sign3A_11 : i1 to i32
    %sign3A_13 = arith.subi %sign3A_9, %sign3A_12 : i32
    %ne3A = arith.cmpi ne, %sign3A_6, %sign3A_13 : i32
    %rem3A = arith.remsi %add3A, %jit3A : i32
    %ne3A_14 = arith.constant 0 : i32
    %ne3A_15 = arith.cmpi ne, %rem3A, %ne3A_14 : i32
    %and3A = arith.andi %ne3A, %ne3A_15 : i1
    %sub3A = arith.constant 1 : i32
    %sub3A_16 = arith.subi %div3A, %sub3A : i32
    %select_n3A = arith.select %and3A, %sub3A_16, %div3A : i32
    %jit3A_17 = arith.constant 2 : i32
    %eq3A = arith.constant 0 : i32
    %eq3A_18 = arith.cmpi eq, %jit3A_17, %eq3A : i32
    %jit3A_19 = arith.constant 1 : i32
    %select_n3A_20 = arith.select %eq3A_18, %jit3A_19, %jit3A_17 : i32
    %rem3A_21 = arith.remsi %add3A, %select_n3A_20 : i32
    %ne3A_22 = arith.constant 0 : i32
    %ne3A_23 = arith.cmpi ne, %rem3A_21, %ne3A_22 : i32
    %lt3A = arith.constant 0 : i32
    %lt3A_24 = arith.cmpi slt, %rem3A_21, %lt3A : i32
    %lt3A_25 = arith.constant 0 : i32
    %lt3A_26 = arith.cmpi slt, %select_n3A_20, %lt3A_25 : i32
    %ne3A_27 = arith.xori %lt3A_24, %lt3A_26 : i1
    %and3A_28 = arith.andi %ne3A_27, %ne3A_23 : i1
    %add3A_29 = arith.addi %rem3A_21, %select_n3A_20 : i32
    %select_n3A_30 = arith.select %and3A_28, %add3A_29, %rem3A_21 : i32
    %mul3A_31 = arith.constant 3584 : i32
    %mul3A_32 = arith.muli %select_n3A_30, %mul3A_31 : i32
    %lt3A_33 = arith.constant 2 : i32
    %lt3A_34 = arith.cmpi slt, %add3A, %lt3A_33 : i32
    %convert_element_type3A = arith.extui %lt3A_34 : i1 to i32
    %cond3A = arith.constant 0 : i32
    %cond3A_35 = arith.cmpi ne, %convert_element_type3A, %cond3A : i32
    scf.if %cond3A_35 {
      "tpu.region"() ({
        %run_scoped3A = tpu.sem_alloc : memref<!tpu.dma_semaphore, #tpu.memory_space<semaphore_mem>>
        tpu.enqueue_dma source(%arg10 : memref<2048xi32, #tpu.memory_space<hbm>>) target(%arg30 : memref<2048xi32, #tpu.memory_space<vmem>>) target_semaphore(%run_scoped3A : memref<!tpu.dma_semaphore, #tpu.memory_space<semaphore_mem>>)
        tpu.wait_dma2 semaphore(%run_scoped3A : memref<!tpu.dma_semaphore, #tpu.memory_space<semaphore_mem>>) src(%arg10 : memref<2048xi32, #tpu.memory_space<hbm>>) dst(%arg30 : memref<2048xi32, #tpu.memory_space<vmem>>)
        tpu.yield
      }) : () -> ()
    } else {
    }
    %eq3A_36 = arith.constant 0 : i32
    %eq3A_37 = arith.cmpi eq, %add3A, %eq3A_36 : i32
    %convert_element_type3A_38 = arith.extui %eq3A_37 : i1 to i32
    %cond3A_39 = arith.constant 0 : i32
    %cond3A_40 = arith.cmpi ne, %convert_element_type3A_38, %cond3A_39 : i32
    scf.if %cond3A_40 {
      %dma_start3A_235 = arith.constant 0 : i32
      %dma_start3A_236 = tpu.memref_slice %arg7[%dma_start3A_235] : memref<4000000xf32, #tpu.memory_space<hbm>> -> memref<4000000xf32, #tpu.memory_space<hbm>>
      tpu.enqueue_indirect_dma source(%dma_start3A_236 : memref<4000000xf32, #tpu.memory_space<hbm>>) target(%arg31 : memref<2048xf32, #tpu.memory_space<vmem>>) offsets(%arg30 : memref<2048xi32, #tpu.memory_space<vmem>>) semaphore(%arg33 : memref<!tpu.dma_semaphore, #tpu.memory_space<semaphore_mem>>)
    } else {
    }
    %eq3A_41 = arith.constant 1 : i32
    %eq3A_42 = arith.cmpi eq, %add3A, %eq3A_41 : i32
    %convert_element_type3A_43 = arith.extui %eq3A_42 : i1 to i32
    %cond3A_44 = arith.constant 0 : i32
    %cond3A_45 = arith.cmpi ne, %convert_element_type3A_43, %cond3A_44 : i32
    scf.if %cond3A_45 {
      %dma_start3A_235 = arith.constant 0 : i32
      %dma_start3A_236 = tpu.memref_slice %arg8[%dma_start3A_235] : memref<4000000xf32, #tpu.memory_space<hbm>> -> memref<4000000xf32, #tpu.memory_space<hbm>>
      tpu.enqueue_indirect_dma source(%dma_start3A_236 : memref<4000000xf32, #tpu.memory_space<hbm>>) target(%arg31 : memref<2048xf32, #tpu.memory_space<vmem>>) offsets(%arg30 : memref<2048xi32, #tpu.memory_space<vmem>>) semaphore(%arg33 : memref<!tpu.dma_semaphore, #tpu.memory_space<semaphore_mem>>)
    } else {
    }
    "tpu.region"() ({
      %run_scoped3A = tpu.sem_alloc : memref<!tpu.dma_semaphore, #tpu.memory_space<semaphore_mem>>
      %dma_start3A_235 = tpu.memref_slice %arg4[%mul3A_32] : memref<7168xi32, #tpu.memory_space<hbm>> -> memref<3584xi32, #tpu.memory_space<hbm>>
      %dma_start3A_236 = tpu.memref_slice %arg4[%mul3A_32] : memref<7168xi32, #tpu.memory_space<hbm>> -> memref<3584xi32, #tpu.memory_space<hbm>>
      tpu.enqueue_dma source(%dma_start3A_236 : memref<3584xi32, #tpu.memory_space<hbm>>) target(%arg15 : memref<3584xi32, #tpu.memory_space<vmem>>) target_semaphore(%run_scoped3A : memref<!tpu.dma_semaphore, #tpu.memory_space<semaphore_mem>>)
      %dma_wait3A_237 = tpu.memref_slice %arg4[%mul3A_32] : memref<7168xi32, #tpu.memory_space<hbm>> -> memref<3584xi32, #tpu.memory_space<hbm>>
      %dma_wait3A_238 = tpu.memref_slice %arg4[%mul3A_32] : memref<7168xi32, #tpu.memory_space<hbm>> -> memref<3584xi32, #tpu.memory_space<hbm>>
      tpu.wait_dma2 semaphore(%run_scoped3A : memref<!tpu.dma_semaphore, #tpu.memory_space<semaphore_mem>>) src(%dma_wait3A_238 : memref<3584xi32, #tpu.memory_space<hbm>>) dst(%arg15 : memref<3584xi32, #tpu.memory_space<vmem>>)
      tpu.yield
    }) : () -> ()
    %dma_start3A = arith.constant 0 : i32
    %dma_start3A_46 = tpu.memref_slice %arg7[%dma_start3A] : memref<4000000xf32, #tpu.memory_space<hbm>> -> memref<4000000xf32, #tpu.memory_space<hbm>>
    tpu.enqueue_indirect_dma source(%dma_start3A_46 : memref<4000000xf32, #tpu.memory_space<hbm>>) target(%arg17 : memref<3584xf32, #tpu.memory_space<vmem>>) offsets(%arg15 : memref<3584xi32, #tpu.memory_space<vmem>>) semaphore(%arg32 : memref<!tpu.dma_semaphore, #tpu.memory_space<semaphore_mem>>)
    %dma_start3A_47 = arith.constant 0 : i32
    %dma_start3A_48 = tpu.memref_slice %arg8[%dma_start3A_47] : memref<4000000xf32, #tpu.memory_space<hbm>> -> memref<4000000xf32, #tpu.memory_space<hbm>>
    tpu.enqueue_indirect_dma source(%dma_start3A_48 : memref<4000000xf32, #tpu.memory_space<hbm>>) target(%arg18 : memref<3584xf32, #tpu.memory_space<vmem>>) offsets(%arg15 : memref<3584xi32, #tpu.memory_space<vmem>>) semaphore(%arg32 : memref<!tpu.dma_semaphore, #tpu.memory_space<semaphore_mem>>)
    %dma_start3A_49 = tpu.memref_slice %arg2[%mul3A_32] : memref<7168xi32, #tpu.memory_space<hbm>> -> memref<3584xi32, #tpu.memory_space<hbm>>
    %dma_start3A_50 = tpu.memref_slice %arg2[%mul3A_32] : memref<7168xi32, #tpu.memory_space<hbm>> -> memref<3584xi32, #tpu.memory_space<hbm>>
    tpu.enqueue_dma source(%dma_start3A_50 : memref<3584xi32, #tpu.memory_space<hbm>>) target(%arg13 : memref<3584xi32, #tpu.memory_space<vmem>>) target_semaphore(%arg34 : memref<!tpu.dma_semaphore, #tpu.memory_space<semaphore_mem>>)
    %dma_start3A_51 = tpu.memref_slice %arg3[%mul3A_32] : memref<7168xi32, #tpu.memory_space<hbm>> -> memref<3584xi32, #tpu.memory_space<hbm>>
    %dma_start3A_52 = tpu.memref_slice %arg3[%mul3A_32] : memref<7168xi32, #tpu.memory_space<hbm>> -> memref<3584xi32, #tpu.memory_space<hbm>>
    tpu.enqueue_dma source(%dma_start3A_52 : memref<3584xi32, #tpu.memory_space<hbm>>) target(%arg14 : memref<3584xi32, #tpu.memory_space<vmem>>) target_semaphore(%arg34 : memref<!tpu.dma_semaphore, #tpu.memory_space<semaphore_mem>>)
    %dma_start3A_53 = tpu.memref_slice %arg5[%select_n3A, %mul3A_32] : memref<8x7168xi32, #tpu.memory_space<hbm>> -> memref<1x3584xi32, #tpu.memory_space<hbm>>
    %dma_start3A_54 = tpu.memref_squeeze %dma_start3A_53 : memref<1x3584xi32, #tpu.memory_space<hbm>> -> memref<3584xi32, #tpu.memory_space<hbm>>
    %dma_start3A_55 = tpu.memref_slice %arg5[%select_n3A, %mul3A_32] : memref<8x7168xi32, #tpu.memory_space<hbm>> -> memref<1x3584xi32, #tpu.memory_space<hbm>>
    %dma_start3A_56 = tpu.memref_squeeze %dma_start3A_55 : memref<1x3584xi32, #tpu.memory_space<hbm>> -> memref<3584xi32, #tpu.memory_space<hbm>>
    tpu.enqueue_dma source(%dma_start3A_56 : memref<3584xi32, #tpu.memory_space<hbm>>) target(%arg16 : memref<3584xi32, #tpu.memory_space<vmem>>) target_semaphore(%arg34 : memref<!tpu.dma_semaphore, #tpu.memory_space<semaphore_mem>>)
    %dma_start3A_57 = tpu.memref_slice %arg6[%mul3A_32] : memref<7168xf32, #tpu.memory_space<hbm>> -> memref<3584xf32, #tpu.memory_space<hbm>>
    %dma_start3A_58 = tpu.memref_slice %arg6[%mul3A_32] : memref<7168xf32, #tpu.memory_space<hbm>> -> memref<3584xf32, #tpu.memory_space<hbm>>
    tpu.enqueue_dma source(%dma_start3A_58 : memref<3584xf32, #tpu.memory_space<hbm>>) target(%arg19 : memref<3584xf32, #tpu.memory_space<vmem>>) target_semaphore(%arg34 : memref<!tpu.dma_semaphore, #tpu.memory_space<semaphore_mem>>)
    %dma_start3A_59 = arith.constant 0 : i32
    %dma_start3A_60 = arith.constant 0 : i32
    %dma_start3A_61 = arith.constant 0 : i32
    %dma_start3A_62 = tpu.memref_slice %arg9[%select_n3A, %dma_start3A_59, %dma_start3A_60, %dma_start3A_61] : memref<8x2x2x2048xf32, #tpu.memory_space<hbm>> -> memref<1x1x1x2048xf32, #tpu.memory_space<hbm>>
    %dma_start3A_63 = tpu.memref_squeeze %dma_start3A_62 : memref<1x1x1x2048xf32, #tpu.memory_space<hbm>> -> memref<2048xf32, #tpu.memory_space<hbm>>
    %dma_start3A_64 = arith.constant 0 : i32
    %dma_start3A_65 = tpu.memref_slice %arg9[%select_n3A, %dma_start3A_59, %dma_start3A_60, %dma_start3A_64] : memref<8x2x2x2048xf32, #tpu.memory_space<hbm>> -> memref<1x1x1x2048xf32, #tpu.memory_space<hbm>>
    %dma_start3A_66 = tpu.memref_squeeze %dma_start3A_65 : memref<1x1x1x2048xf32, #tpu.memory_space<hbm>> -> memref<2048xf32, #tpu.memory_space<hbm>>
    tpu.enqueue_dma source(%dma_start3A_66 : memref<2048xf32, #tpu.memory_space<hbm>>) target(%arg20 : memref<2048xf32, #tpu.memory_space<vmem>>) target_semaphore(%arg34 : memref<!tpu.dma_semaphore, #tpu.memory_space<semaphore_mem>>)
    %dma_start3A_67 = arith.constant 0 : i32
    %dma_start3A_68 = arith.constant 1 : i32
    %dma_start3A_69 = arith.constant 0 : i32
    %dma_start3A_70 = tpu.memref_slice %arg9[%select_n3A, %dma_start3A_67, %dma_start3A_68, %dma_start3A_69] : memref<8x2x2x2048xf32, #tpu.memory_space<hbm>> -> memref<1x1x1x2048xf32, #tpu.memory_space<hbm>>
    %dma_start3A_71 = tpu.memref_squeeze %dma_start3A_70 : memref<1x1x1x2048xf32, #tpu.memory_space<hbm>> -> memref<2048xf32, #tpu.memory_space<hbm>>
    %dma_start3A_72 = arith.constant 0 : i32
    %dma_start3A_73 = tpu.memref_slice %arg9[%select_n3A, %dma_start3A_67, %dma_start3A_68, %dma_start3A_72] : memref<8x2x2x2048xf32, #tpu.memory_space<hbm>> -> memref<1x1x1x2048xf32, #tpu.memory_space<hbm>>
    %dma_start3A_74 = tpu.memref_squeeze %dma_start3A_73 : memref<1x1x1x2048xf32, #tpu.memory_space<hbm>> -> memref<2048xf32, #tpu.memory_space<hbm>>
    tpu.enqueue_dma source(%dma_start3A_74 : memref<2048xf32, #tpu.memory_space<hbm>>) target(%arg21 : memref<2048xf32, #tpu.memory_space<vmem>>) target_semaphore(%arg34 : memref<!tpu.dma_semaphore, #tpu.memory_space<semaphore_mem>>)
    %dma_start3A_75 = arith.constant 1 : i32
    %dma_start3A_76 = arith.constant 0 : i32
    %dma_start3A_77 = arith.constant 0 : i32
    %dma_start3A_78 = tpu.memref_slice %arg9[%select_n3A, %dma_start3A_75, %dma_start3A_76, %dma_start3A_77] : memref<8x2x2x2048xf32, #tpu.memory_space<hbm>> -> memref<1x1x1x2048xf32, #tpu.memory_space<hbm>>
    %dma_start3A_79 = tpu.memref_squeeze %dma_start3A_78 : memref<1x1x1x2048xf32, #tpu.memory_space<hbm>> -> memref<2048xf32, #tpu.memory_space<hbm>>
    %dma_start3A_80 = arith.constant 0 : i32
    %dma_start3A_81 = tpu.memref_slice %arg9[%select_n3A, %dma_start3A_75, %dma_start3A_76, %dma_start3A_80] : memref<8x2x2x2048xf32, #tpu.memory_space<hbm>> -> memref<1x1x1x2048xf32, #tpu.memory_space<hbm>>
    %dma_start3A_82 = tpu.memref_squeeze %dma_start3A_81 : memref<1x1x1x2048xf32, #tpu.memory_space<hbm>> -> memref<2048xf32, #tpu.memory_space<hbm>>
    tpu.enqueue_dma source(%dma_start3A_82 : memref<2048xf32, #tpu.memory_space<hbm>>) target(%arg22 : memref<2048xf32, #tpu.memory_space<vmem>>) target_semaphore(%arg34 : memref<!tpu.dma_semaphore, #tpu.memory_space<semaphore_mem>>)
    %dma_start3A_83 = arith.constant 1 : i32
    %dma_start3A_84 = arith.constant 1 : i32
    %dma_start3A_85 = arith.constant 0 : i32
    %dma_start3A_86 = tpu.memref_slice %arg9[%select_n3A, %dma_start3A_83, %dma_start3A_84, %dma_start3A_85] : memref<8x2x2x2048xf32, #tpu.memory_space<hbm>> -> memref<1x1x1x2048xf32, #tpu.memory_space<hbm>>
    %dma_start3A_87 = tpu.memref_squeeze %dma_start3A_86 : memref<1x1x1x2048xf32, #tpu.memory_space<hbm>> -> memref<2048xf32, #tpu.memory_space<hbm>>
    %dma_start3A_88 = arith.constant 0 : i32
    %dma_start3A_89 = tpu.memref_slice %arg9[%select_n3A, %dma_start3A_83, %dma_start3A_84, %dma_start3A_88] : memref<8x2x2x2048xf32, #tpu.memory_space<hbm>> -> memref<1x1x1x2048xf32, #tpu.memory_space<hbm>>
    %dma_start3A_90 = tpu.memref_squeeze %dma_start3A_89 : memref<1x1x1x2048xf32, #tpu.memory_space<hbm>> -> memref<2048xf32, #tpu.memory_space<hbm>>
    tpu.enqueue_dma source(%dma_start3A_90 : memref<2048xf32, #tpu.memory_space<hbm>>) target(%arg23 : memref<2048xf32, #tpu.memory_space<vmem>>) target_semaphore(%arg34 : memref<!tpu.dma_semaphore, #tpu.memory_space<semaphore_mem>>)
    %parallel_loop3A = arith.constant 0 : i32
    %parallel_loop3A_91 = arith.constant 128 : i32
    %parallel_loop3A_92 = arith.constant 1 : i32
    scf.for %parallel_loop3A_235 = %parallel_loop3A to %parallel_loop3A_91 step %parallel_loop3A_92  : i32 {
      %parallel_loop3A_236 = arith.constant 0.000000e+00 : f32
      %parallel_loop3A_237 = vector.broadcast %parallel_loop3A_236 : f32 to vector<16xf32>
      %parallel_loop3A_238 = arith.constant 16 : i32
      %parallel_loop3A_239 = arith.muli %parallel_loop3A_235, %parallel_loop3A_238 : i32
      %parallel_loop3A_240 = arith.index_cast %parallel_loop3A_239 : i32 to index
      %parallel_loop3A_241 = tpu.vector_load %arg24[%parallel_loop3A_240] {strides = array<i32>} : memref<2048xf32, #tpu.memory_space<vmem>>, vector<16xf32>,
      tpu.vector_store %arg24[%parallel_loop3A_240], %parallel_loop3A_237 {strides = array<i32>} : memref<2048xf32, #tpu.memory_space<vmem>>, vector<16xf32>,
      %parallel_loop3A_242 = arith.index_cast %parallel_loop3A_239 : i32 to index
      %parallel_loop3A_243 = tpu.vector_load %arg25[%parallel_loop3A_242] {strides = array<i32>} : memref<2048xf32, #tpu.memory_space<vmem>>, vector<16xf32>,
      tpu.vector_store %arg25[%parallel_loop3A_242], %parallel_loop3A_237 {strides = array<i32>} : memref<2048xf32, #tpu.memory_space<vmem>>, vector<16xf32>,
      %parallel_loop3A_244 = arith.index_cast %parallel_loop3A_239 : i32 to index
      %parallel_loop3A_245 = tpu.vector_load %arg26[%parallel_loop3A_244] {strides = array<i32>} : memref<2048xf32, #tpu.memory_space<vmem>>, vector<16xf32>,
      tpu.vector_store %arg26[%parallel_loop3A_244], %parallel_loop3A_237 {strides = array<i32>} : memref<2048xf32, #tpu.memory_space<vmem>>, vector<16xf32>,
      %parallel_loop3A_246 = arith.index_cast %parallel_loop3A_239 : i32 to index
      %parallel_loop3A_247 = tpu.vector_load %arg27[%parallel_loop3A_246] {strides = array<i32>} : memref<2048xf32, #tpu.memory_space<vmem>>, vector<16xf32>,
      tpu.vector_store %arg27[%parallel_loop3A_246], %parallel_loop3A_237 {strides = array<i32>} : memref<2048xf32, #tpu.memory_space<vmem>>, vector<16xf32>,
      %parallel_loop3A_248 = arith.index_cast %parallel_loop3A_239 : i32 to index
      %parallel_loop3A_249 = tpu.vector_load %arg28[%parallel_loop3A_248] {strides = array<i32>} : memref<2048xf32, #tpu.memory_space<vmem>>, vector<16xf32>,
      tpu.vector_store %arg28[%parallel_loop3A_248], %parallel_loop3A_237 {strides = array<i32>} : memref<2048xf32, #tpu.memory_space<vmem>>, vector<16xf32>,
      %parallel_loop3A_250 = arith.index_cast %parallel_loop3A_239 : i32 to index
      %parallel_loop3A_251 = tpu.vector_load %arg29[%parallel_loop3A_250] {strides = array<i32>} : memref<2048xf32, #tpu.memory_space<vmem>>, vector<16xf32>,
      tpu.vector_store %arg29[%parallel_loop3A_250], %parallel_loop3A_237 {strides = array<i32>} : memref<2048xf32, #tpu.memory_space<vmem>>, vector<16xf32>,
    } {sc.loop_unroll_factor = 8 : i64, sc.parallel_access}
    %dma_wait3A = tpu.memref_slice %arg2[%mul3A_32] : memref<7168xi32, #tpu.memory_space<hbm>> -> memref<3584xi32, #tpu.memory_space<hbm>>
    %dma_wait3A_93 = tpu.memref_slice %arg2[%mul3A_32] : memref<7168xi32, #tpu.memory_space<hbm>> -> memref<3584xi32, #tpu.memory_space<hbm>>
    tpu.wait_dma2 semaphore(%arg34 : memref<!tpu.dma_semaphore, #tpu.memory_space<semaphore_mem>>) src(%dma_wait3A_93 : memref<3584xi32, #tpu.memory_space<hbm>>) dst(%arg13 : memref<3584xi32, #tpu.memory_space<vmem>>)
    %dma_wait3A_94 = tpu.memref_slice %arg3[%mul3A_32] : memref<7168xi32, #tpu.memory_space<hbm>> -> memref<3584xi32, #tpu.memory_space<hbm>>
    %dma_wait3A_95 = tpu.memref_slice %arg3[%mul3A_32] : memref<7168xi32, #tpu.memory_space<hbm>> -> memref<3584xi32, #tpu.memory_space<hbm>>
    tpu.wait_dma2 semaphore(%arg34 : memref<!tpu.dma_semaphore, #tpu.memory_space<semaphore_mem>>) src(%dma_wait3A_95 : memref<3584xi32, #tpu.memory_space<hbm>>) dst(%arg14 : memref<3584xi32, #tpu.memory_space<vmem>>)
    %dma_wait3A_96 = tpu.memref_slice %arg5[%select_n3A, %mul3A_32] : memref<8x7168xi32, #tpu.memory_space<hbm>> -> memref<1x3584xi32, #tpu.memory_space<hbm>>
    %dma_wait3A_97 = tpu.memref_squeeze %dma_wait3A_96 : memref<1x3584xi32, #tpu.memory_space<hbm>> -> memref<3584xi32, #tpu.memory_space<hbm>>
    %dma_wait3A_98 = tpu.memref_slice %arg5[%select_n3A, %mul3A_32] : memref<8x7168xi32, #tpu.memory_space<hbm>> -> memref<1x3584xi32, #tpu.memory_space<hbm>>
    %dma_wait3A_99 = tpu.memref_squeeze %dma_wait3A_98 : memref<1x3584xi32, #tpu.memory_space<hbm>> -> memref<3584xi32, #tpu.memory_space<hbm>>
    tpu.wait_dma2 semaphore(%arg34 : memref<!tpu.dma_semaphore, #tpu.memory_space<semaphore_mem>>) src(%dma_wait3A_99 : memref<3584xi32, #tpu.memory_space<hbm>>) dst(%arg16 : memref<3584xi32, #tpu.memory_space<vmem>>)
    %dma_wait3A_100 = tpu.memref_slice %arg6[%mul3A_32] : memref<7168xf32, #tpu.memory_space<hbm>> -> memref<3584xf32, #tpu.memory_space<hbm>>
    %dma_wait3A_101 = tpu.memref_slice %arg6[%mul3A_32] : memref<7168xf32, #tpu.memory_space<hbm>> -> memref<3584xf32, #tpu.memory_space<hbm>>
    tpu.wait_dma2 semaphore(%arg34 : memref<!tpu.dma_semaphore, #tpu.memory_space<semaphore_mem>>) src(%dma_wait3A_101 : memref<3584xf32, #tpu.memory_space<hbm>>) dst(%arg19 : memref<3584xf32, #tpu.memory_space<vmem>>)
    %dma_wait3A_102 = arith.constant 0 : i32
    %dma_wait3A_103 = arith.constant 0 : i32
    %dma_wait3A_104 = arith.constant 0 : i32
    %dma_wait3A_105 = tpu.memref_slice %arg9[%select_n3A, %dma_wait3A_102, %dma_wait3A_103, %dma_wait3A_104] : memref<8x2x2x2048xf32, #tpu.memory_space<hbm>> -> memref<1x1x1x2048xf32, #tpu.memory_space<hbm>>
    %dma_wait3A_106 = tpu.memref_squeeze %dma_wait3A_105 : memref<1x1x1x2048xf32, #tpu.memory_space<hbm>> -> memref<2048xf32, #tpu.memory_space<hbm>>
    %dma_wait3A_107 = arith.constant 0 : i32
    %dma_wait3A_108 = tpu.memref_slice %arg9[%select_n3A, %dma_wait3A_102, %dma_wait3A_103, %dma_wait3A_107] : memref<8x2x2x2048xf32, #tpu.memory_space<hbm>> -> memref<1x1x1x2048xf32, #tpu.memory_space<hbm>>
    %dma_wait3A_109 = tpu.memref_squeeze %dma_wait3A_108 : memref<1x1x1x2048xf32, #tpu.memory_space<hbm>> -> memref<2048xf32, #tpu.memory_space<hbm>>
    tpu.wait_dma2 semaphore(%arg34 : memref<!tpu.dma_semaphore, #tpu.memory_space<semaphore_mem>>) src(%dma_wait3A_109 : memref<2048xf32, #tpu.memory_space<hbm>>) dst(%arg20 : memref<2048xf32, #tpu.memory_space<vmem>>)
    %dma_wait3A_110 = arith.constant 0 : i32
    %dma_wait3A_111 = arith.constant 1 : i32
    %dma_wait3A_112 = arith.constant 0 : i32
    %dma_wait3A_113 = tpu.memref_slice %arg9[%select_n3A, %dma_wait3A_110, %dma_wait3A_111, %dma_wait3A_112] : memref<8x2x2x2048xf32, #tpu.memory_space<hbm>> -> memref<1x1x1x2048xf32, #tpu.memory_space<hbm>>
    %dma_wait3A_114 = tpu.memref_squeeze %dma_wait3A_113 : memref<1x1x1x2048xf32, #tpu.memory_space<hbm>> -> memref<2048xf32, #tpu.memory_space<hbm>>
    %dma_wait3A_115 = arith.constant 0 : i32
    %dma_wait3A_116 = tpu.memref_slice %arg9[%select_n3A, %dma_wait3A_110, %dma_wait3A_111, %dma_wait3A_115] : memref<8x2x2x2048xf32, #tpu.memory_space<hbm>> -> memref<1x1x1x2048xf32, #tpu.memory_space<hbm>>
    %dma_wait3A_117 = tpu.memref_squeeze %dma_wait3A_116 : memref<1x1x1x2048xf32, #tpu.memory_space<hbm>> -> memref<2048xf32, #tpu.memory_space<hbm>>
    tpu.wait_dma2 semaphore(%arg34 : memref<!tpu.dma_semaphore, #tpu.memory_space<semaphore_mem>>) src(%dma_wait3A_117 : memref<2048xf32, #tpu.memory_space<hbm>>) dst(%arg21 : memref<2048xf32, #tpu.memory_space<vmem>>)
    %dma_wait3A_118 = arith.constant 1 : i32
    %dma_wait3A_119 = arith.constant 0 : i32
    %dma_wait3A_120 = arith.constant 0 : i32
    %dma_wait3A_121 = tpu.memref_slice %arg9[%select_n3A, %dma_wait3A_118, %dma_wait3A_119, %dma_wait3A_120] : memref<8x2x2x2048xf32, #tpu.memory_space<hbm>> -> memref<1x1x1x2048xf32, #tpu.memory_space<hbm>>
    %dma_wait3A_122 = tpu.memref_squeeze %dma_wait3A_121 : memref<1x1x1x2048xf32, #tpu.memory_space<hbm>> -> memref<2048xf32, #tpu.memory_space<hbm>>
    %dma_wait3A_123 = arith.constant 0 : i32
    %dma_wait3A_124 = tpu.memref_slice %arg9[%select_n3A, %dma_wait3A_118, %dma_wait3A_119, %dma_wait3A_123] : memref<8x2x2x2048xf32, #tpu.memory_space<hbm>> -> memref<1x1x1x2048xf32, #tpu.memory_space<hbm>>
    %dma_wait3A_125 = tpu.memref_squeeze %dma_wait3A_124 : memref<1x1x1x2048xf32, #tpu.memory_space<hbm>> -> memref<2048xf32, #tpu.memory_space<hbm>>
    tpu.wait_dma2 semaphore(%arg34 : memref<!tpu.dma_semaphore, #tpu.memory_space<semaphore_mem>>) src(%dma_wait3A_125 : memref<2048xf32, #tpu.memory_space<hbm>>) dst(%arg22 : memref<2048xf32, #tpu.memory_space<vmem>>)
    %dma_wait3A_126 = arith.constant 1 : i32
    %dma_wait3A_127 = arith.constant 1 : i32
    %dma_wait3A_128 = arith.constant 0 : i32
    %dma_wait3A_129 = tpu.memref_slice %arg9[%select_n3A, %dma_wait3A_126, %dma_wait3A_127, %dma_wait3A_128] : memref<8x2x2x2048xf32, #tpu.memory_space<hbm>> -> memref<1x1x1x2048xf32, #tpu.memory_space<hbm>>
    %dma_wait3A_130 = tpu.memref_squeeze %dma_wait3A_129 : memref<1x1x1x2048xf32, #tpu.memory_space<hbm>> -> memref<2048xf32, #tpu.memory_space<hbm>>
    %dma_wait3A_131 = arith.constant 0 : i32
    %dma_wait3A_132 = tpu.memref_slice %arg9[%select_n3A, %dma_wait3A_126, %dma_wait3A_127, %dma_wait3A_131] : memref<8x2x2x2048xf32, #tpu.memory_space<hbm>> -> memref<1x1x1x2048xf32, #tpu.memory_space<hbm>>
    %dma_wait3A_133 = tpu.memref_squeeze %dma_wait3A_132 : memref<1x1x1x2048xf32, #tpu.memory_space<hbm>> -> memref<2048xf32, #tpu.memory_space<hbm>>
    tpu.wait_dma2 semaphore(%arg34 : memref<!tpu.dma_semaphore, #tpu.memory_space<semaphore_mem>>) src(%dma_wait3A_133 : memref<2048xf32, #tpu.memory_space<hbm>>) dst(%arg23 : memref<2048xf32, #tpu.memory_space<vmem>>)
    %dma_wait3A_134 = arith.constant 0 : i32
    %dma_wait3A_135 = tpu.memref_slice %arg7[%dma_wait3A_134] : memref<4000000xf32, #tpu.memory_space<hbm>> -> memref<4000000xf32, #tpu.memory_space<hbm>>
    tpu.wait_indirect_dma semaphore(%arg32 : memref<!tpu.dma_semaphore, #tpu.memory_space<semaphore_mem>>) src(%dma_wait3A_135 : memref<4000000xf32, #tpu.memory_space<hbm>>) dst(%arg17 : memref<3584xf32, #tpu.memory_space<vmem>>)
    %dma_wait3A_136 = arith.constant 0 : i32
    %dma_wait3A_137 = tpu.memref_slice %arg8[%dma_wait3A_136] : memref<4000000xf32, #tpu.memory_space<hbm>> -> memref<4000000xf32, #tpu.memory_space<hbm>>
    tpu.wait_indirect_dma semaphore(%arg32 : memref<!tpu.dma_semaphore, #tpu.memory_space<semaphore_mem>>) src(%dma_wait3A_137 : memref<4000000xf32, #tpu.memory_space<hbm>>) dst(%arg18 : memref<3584xf32, #tpu.memory_space<vmem>>)
    %parallel_loop3A_138 = arith.constant 0 : i32
    %parallel_loop3A_139 = arith.constant 224 : i32
    %parallel_loop3A_140 = arith.constant 1 : i32
    scf.for %parallel_loop3A_235 = %parallel_loop3A_138 to %parallel_loop3A_139 step %parallel_loop3A_140  : i32 {
      %parallel_loop3A_236 = arith.constant 16 : i32
      %parallel_loop3A_237 = arith.muli %parallel_loop3A_235, %parallel_loop3A_236 : i32
      %parallel_loop3A_238 = arith.index_cast %parallel_loop3A_237 : i32 to index
      %parallel_loop3A_239 = tpu.vector_load %arg16[%parallel_loop3A_238] {strides = array<i32>} : memref<3584xi32, #tpu.memory_space<vmem>>, vector<16xi32>,
      %parallel_loop3A_240 = arith.constant 0 : i32
      %parallel_loop3A_241 = vector.broadcast %parallel_loop3A_240 : i32 to vector<16xi32>
      %parallel_loop3A_242 = arith.cmpi eq, %parallel_loop3A_239, %parallel_loop3A_241 : vector<16xi32>
      %parallel_loop3A_243 = arith.index_cast %parallel_loop3A_237 : i32 to index
      %parallel_loop3A_244 = tpu.vector_load %arg17[%parallel_loop3A_243] {strides = array<i32>} : memref<3584xf32, #tpu.memory_space<vmem>>, vector<16xf32>,
      %parallel_loop3A_245 = arith.index_cast %parallel_loop3A_237 : i32 to index
      %parallel_loop3A_246 = tpu.vector_load %arg18[%parallel_loop3A_245] {strides = array<i32>} : memref<3584xf32, #tpu.memory_space<vmem>>, vector<16xf32>,
      %parallel_loop3A_247 = arith.index_cast %parallel_loop3A_237 : i32 to index
      %parallel_loop3A_248 = tpu.vector_load %arg13[%parallel_loop3A_247] {strides = array<i32>} : memref<3584xi32, #tpu.memory_space<vmem>>, vector<16xi32>,
      %parallel_loop3A_249 = arith.index_cast %parallel_loop3A_237 : i32 to index
      %parallel_loop3A_250 = tpu.vector_load %arg14[%parallel_loop3A_249] {strides = array<i32>} : memref<3584xi32, #tpu.memory_space<vmem>>, vector<16xi32>,
      %parallel_loop3A_251 = arith.constant 0.000000e+00 : f32
      %parallel_loop3A_252 = vector.broadcast %parallel_loop3A_251 : f32 to vector<16xf32>
      %parallel_loop3A_253 = arith.select %parallel_loop3A_242, %parallel_loop3A_244, %parallel_loop3A_252 : vector<16xi1>, vector<16xf32>
      tpu.vector_store_idx %arg24[%parallel_loop3A_248], %parallel_loop3A_253 {add = true} : memref<2048xf32, #tpu.memory_space<vmem>>[vector<16xi32>], vector<16xf32>,
      %parallel_loop3A_254 = arith.index_cast %parallel_loop3A_237 : i32 to index
      %parallel_loop3A_255 = tpu.vector_load %arg19[%parallel_loop3A_254] {strides = array<i32>} : memref<3584xf32, #tpu.memory_space<vmem>>, vector<16xf32>,
      %parallel_loop3A_256 = arith.subf %parallel_loop3A_246, %parallel_loop3A_255 : vector<16xf32>
      %parallel_loop3A_257 = arith.constant 0.000000e+00 : f32
      %parallel_loop3A_258 = vector.broadcast %parallel_loop3A_257 : f32 to vector<16xf32>
      %parallel_loop3A_259 = arith.select %parallel_loop3A_242, %parallel_loop3A_256, %parallel_loop3A_258 : vector<16xi1>, vector<16xf32>
      tpu.vector_store_idx %arg25[%parallel_loop3A_248], %parallel_loop3A_259 {add = true} : memref<2048xf32, #tpu.memory_space<vmem>>[vector<16xi32>], vector<16xf32>,
      %parallel_loop3A_260 = math.absf %parallel_loop3A_244 : vector<16xf32>
      %parallel_loop3A_261 = arith.constant 1.000000e-03 : f32
      %parallel_loop3A_262 = vector.broadcast %parallel_loop3A_261 : f32 to vector<16xf32>
      %parallel_loop3A_263 = arith.cmpf oge, %parallel_loop3A_260, %parallel_loop3A_262 : vector<16xf32>
      %parallel_loop3A_264 = arith.andi %parallel_loop3A_242, %parallel_loop3A_263 : vector<16xi1>
      %parallel_loop3A_265 = arith.constant 0.000000e+00 : f32
      %parallel_loop3A_266 = vector.broadcast %parallel_loop3A_265 : f32 to vector<16xf32>
      %parallel_loop3A_267 = arith.select %parallel_loop3A_264, %parallel_loop3A_244, %parallel_loop3A_266 : vector<16xi1>, vector<16xf32>
      %parallel_loop3A_268 = arith.constant 0.000000e+00 : f32
      %parallel_loop3A_269 = vector.broadcast %parallel_loop3A_268 : f32 to vector<16xf32>
      %parallel_loop3A_270 = arith.select %parallel_loop3A_264, %parallel_loop3A_246, %parallel_loop3A_269 : vector<16xi1>, vector<16xf32>
      %parallel_loop3A_271 = tpu.vector_load_idx %arg20[%parallel_loop3A_250] : memref<2048xf32, #tpu.memory_space<vmem>>[vector<16xi32>], vector<16xf32>,
      %parallel_loop3A_272 = tpu.vector_load_idx %arg21[%parallel_loop3A_250] : memref<2048xf32, #tpu.memory_space<vmem>>[vector<16xi32>], vector<16xf32>,
      %parallel_loop3A_273 = tpu.vector_load_idx %arg22[%parallel_loop3A_250] : memref<2048xf32, #tpu.memory_space<vmem>>[vector<16xi32>], vector<16xf32>,
      %parallel_loop3A_274 = tpu.vector_load_idx %arg23[%parallel_loop3A_250] : memref<2048xf32, #tpu.memory_space<vmem>>[vector<16xi32>], vector<16xf32>,
      %parallel_loop3A_275 = arith.mulf %parallel_loop3A_267, %parallel_loop3A_271 : vector<16xf32>
      %parallel_loop3A_276 = arith.mulf %parallel_loop3A_270, %parallel_loop3A_272 : vector<16xf32>
      %parallel_loop3A_277 = arith.subf %parallel_loop3A_275, %parallel_loop3A_276 : vector<16xf32>
      tpu.vector_store_idx %arg26[%parallel_loop3A_248], %parallel_loop3A_277 {add = true} : memref<2048xf32, #tpu.memory_space<vmem>>[vector<16xi32>], vector<16xf32>,
      %parallel_loop3A_278 = arith.mulf %parallel_loop3A_267, %parallel_loop3A_272 : vector<16xf32>
      %parallel_loop3A_279 = arith.mulf %parallel_loop3A_270, %parallel_loop3A_271 : vector<16xf32>
      %parallel_loop3A_280 = arith.addf %parallel_loop3A_278, %parallel_loop3A_279 : vector<16xf32>
      tpu.vector_store_idx %arg27[%parallel_loop3A_248], %parallel_loop3A_280 {add = true} : memref<2048xf32, #tpu.memory_space<vmem>>[vector<16xi32>], vector<16xf32>,
      %parallel_loop3A_281 = arith.mulf %parallel_loop3A_267, %parallel_loop3A_273 : vector<16xf32>
      %parallel_loop3A_282 = arith.mulf %parallel_loop3A_270, %parallel_loop3A_274 : vector<16xf32>
      %parallel_loop3A_283 = arith.subf %parallel_loop3A_281, %parallel_loop3A_282 : vector<16xf32>
      tpu.vector_store_idx %arg28[%parallel_loop3A_248], %parallel_loop3A_283 {add = true} : memref<2048xf32, #tpu.memory_space<vmem>>[vector<16xi32>], vector<16xf32>,
      %parallel_loop3A_284 = arith.mulf %parallel_loop3A_267, %parallel_loop3A_274 : vector<16xf32>
      %parallel_loop3A_285 = arith.mulf %parallel_loop3A_270, %parallel_loop3A_273 : vector<16xf32>
      %parallel_loop3A_286 = arith.addf %parallel_loop3A_284, %parallel_loop3A_285 : vector<16xf32>
      tpu.vector_store_idx %arg29[%parallel_loop3A_248], %parallel_loop3A_286 {add = true} : memref<2048xf32, #tpu.memory_space<vmem>>[vector<16xi32>], vector<16xf32>,
    } {sc.loop_unroll_factor = 8 : i64, sc.parallel_access}
    %dma_start3A_141 = arith.constant 0 : i32
    %dma_start3A_142 = arith.constant 0 : i32
    %dma_start3A_143 = tpu.memref_slice %arg11[%add3A, %dma_start3A_141, %dma_start3A_142] : memref<16x6x2048xf32, #tpu.memory_space<hbm>> -> memref<1x1x2048xf32, #tpu.memory_space<hbm>>
    %dma_start3A_144 = tpu.memref_squeeze %dma_start3A_143 : memref<1x1x2048xf32, #tpu.memory_space<hbm>> -> memref<2048xf32, #tpu.memory_space<hbm>>
    %dma_start3A_145 = arith.constant 0 : i32
    %dma_start3A_146 = tpu.memref_slice %arg11[%add3A, %dma_start3A_141, %dma_start3A_145] : memref<16x6x2048xf32, #tpu.memory_space<hbm>> -> memref<1x1x2048xf32, #tpu.memory_space<hbm>>
    %dma_start3A_147 = tpu.memref_squeeze %dma_start3A_146 : memref<1x1x2048xf32, #tpu.memory_space<hbm>> -> memref<2048xf32, #tpu.memory_space<hbm>>
    tpu.enqueue_dma source(%arg24 : memref<2048xf32, #tpu.memory_space<vmem>>) target(%dma_start3A_147 : memref<2048xf32, #tpu.memory_space<hbm>>) target_semaphore(%arg34 : memref<!tpu.dma_semaphore, #tpu.memory_space<semaphore_mem>>)
    %dma_start3A_148 = arith.constant 1 : i32
    %dma_start3A_149 = arith.constant 0 : i32
    %dma_start3A_150 = tpu.memref_slice %arg11[%add3A, %dma_start3A_148, %dma_start3A_149] : memref<16x6x2048xf32, #tpu.memory_space<hbm>> -> memref<1x1x2048xf32, #tpu.memory_space<hbm>>
    %dma_start3A_151 = tpu.memref_squeeze %dma_start3A_150 : memref<1x1x2048xf32, #tpu.memory_space<hbm>> -> memref<2048xf32, #tpu.memory_space<hbm>>
    %dma_start3A_152 = arith.constant 0 : i32
    %dma_start3A_153 = tpu.memref_slice %arg11[%add3A, %dma_start3A_148, %dma_start3A_152] : memref<16x6x2048xf32, #tpu.memory_space<hbm>> -> memref<1x1x2048xf32, #tpu.memory_space<hbm>>
    %dma_start3A_154 = tpu.memref_squeeze %dma_start3A_153 : memref<1x1x2048xf32, #tpu.memory_space<hbm>> -> memref<2048xf32, #tpu.memory_space<hbm>>
    tpu.enqueue_dma source(%arg25 : memref<2048xf32, #tpu.memory_space<vmem>>) target(%dma_start3A_154 : memref<2048xf32, #tpu.memory_space<hbm>>) target_semaphore(%arg34 : memref<!tpu.dma_semaphore, #tpu.memory_space<semaphore_mem>>)
    %dma_start3A_155 = arith.constant 2 : i32
    %dma_start3A_156 = arith.constant 0 : i32
    %dma_start3A_157 = tpu.memref_slice %arg11[%add3A, %dma_start3A_155, %dma_start3A_156] : memref<16x6x2048xf32, #tpu.memory_space<hbm>> -> memref<1x1x2048xf32, #tpu.memory_space<hbm>>
    %dma_start3A_158 = tpu.memref_squeeze %dma_start3A_157 : memref<1x1x2048xf32, #tpu.memory_space<hbm>> -> memref<2048xf32, #tpu.memory_space<hbm>>
    %dma_start3A_159 = arith.constant 0 : i32
    %dma_start3A_160 = tpu.memref_slice %arg11[%add3A, %dma_start3A_155, %dma_start3A_159] : memref<16x6x2048xf32, #tpu.memory_space<hbm>> -> memref<1x1x2048xf32, #tpu.memory_space<hbm>>
    %dma_start3A_161 = tpu.memref_squeeze %dma_start3A_160 : memref<1x1x2048xf32, #tpu.memory_space<hbm>> -> memref<2048xf32, #tpu.memory_space<hbm>>
    tpu.enqueue_dma source(%arg26 : memref<2048xf32, #tpu.memory_space<vmem>>) target(%dma_start3A_161 : memref<2048xf32, #tpu.memory_space<hbm>>) target_semaphore(%arg34 : memref<!tpu.dma_semaphore, #tpu.memory_space<semaphore_mem>>)
    %dma_start3A_162 = arith.constant 3 : i32
    %dma_start3A_163 = arith.constant 0 : i32
    %dma_start3A_164 = tpu.memref_slice %arg11[%add3A, %dma_start3A_162, %dma_start3A_163] : memref<16x6x2048xf32, #tpu.memory_space<hbm>> -> memref<1x1x2048xf32, #tpu.memory_space<hbm>>
    %dma_start3A_165 = tpu.memref_squeeze %dma_start3A_164 : memref<1x1x2048xf32, #tpu.memory_space<hbm>> -> memref<2048xf32, #tpu.memory_space<hbm>>
    %dma_start3A_166 = arith.constant 0 : i32
    %dma_start3A_167 = tpu.memref_slice %arg11[%add3A, %dma_start3A_162, %dma_start3A_166] : memref<16x6x2048xf32, #tpu.memory_space<hbm>> -> memref<1x1x2048xf32, #tpu.memory_space<hbm>>
    %dma_start3A_168 = tpu.memref_squeeze %dma_start3A_167 : memref<1x1x2048xf32, #tpu.memory_space<hbm>> -> memref<2048xf32, #tpu.memory_space<hbm>>
    tpu.enqueue_dma source(%arg27 : memref<2048xf32, #tpu.memory_space<vmem>>) target(%dma_start3A_168 : memref<2048xf32, #tpu.memory_space<hbm>>) target_semaphore(%arg34 : memref<!tpu.dma_semaphore, #tpu.memory_space<semaphore_mem>>)
    %dma_start3A_169 = arith.constant 4 : i32
    %dma_start3A_170 = arith.constant 0 : i32
    %dma_start3A_171 = tpu.memref_slice %arg11[%add3A, %dma_start3A_169, %dma_start3A_170] : memref<16x6x2048xf32, #tpu.memory_space<hbm>> -> memref<1x1x2048xf32, #tpu.memory_space<hbm>>
    %dma_start3A_172 = tpu.memref_squeeze %dma_start3A_171 : memref<1x1x2048xf32, #tpu.memory_space<hbm>> -> memref<2048xf32, #tpu.memory_space<hbm>>
    %dma_start3A_173 = arith.constant 0 : i32
    %dma_start3A_174 = tpu.memref_slice %arg11[%add3A, %dma_start3A_169, %dma_start3A_173] : memref<16x6x2048xf32, #tpu.memory_space<hbm>> -> memref<1x1x2048xf32, #tpu.memory_space<hbm>>
    %dma_start3A_175 = tpu.memref_squeeze %dma_start3A_174 : memref<1x1x2048xf32, #tpu.memory_space<hbm>> -> memref<2048xf32, #tpu.memory_space<hbm>>
    tpu.enqueue_dma source(%arg28 : memref<2048xf32, #tpu.memory_space<vmem>>) target(%dma_start3A_175 : memref<2048xf32, #tpu.memory_space<hbm>>) target_semaphore(%arg34 : memref<!tpu.dma_semaphore, #tpu.memory_space<semaphore_mem>>)
    %dma_start3A_176 = arith.constant 5 : i32
    %dma_start3A_177 = arith.constant 0 : i32
    %dma_start3A_178 = tpu.memref_slice %arg11[%add3A, %dma_start3A_176, %dma_start3A_177] : memref<16x6x2048xf32, #tpu.memory_space<hbm>> -> memref<1x1x2048xf32, #tpu.memory_space<hbm>>
    %dma_start3A_179 = tpu.memref_squeeze %dma_start3A_178 : memref<1x1x2048xf32, #tpu.memory_space<hbm>> -> memref<2048xf32, #tpu.memory_space<hbm>>
    %dma_start3A_180 = arith.constant 0 : i32
    %dma_start3A_181 = tpu.memref_slice %arg11[%add3A, %dma_start3A_176, %dma_start3A_180] : memref<16x6x2048xf32, #tpu.memory_space<hbm>> -> memref<1x1x2048xf32, #tpu.memory_space<hbm>>
    %dma_start3A_182 = tpu.memref_squeeze %dma_start3A_181 : memref<1x1x2048xf32, #tpu.memory_space<hbm>> -> memref<2048xf32, #tpu.memory_space<hbm>>
    tpu.enqueue_dma source(%arg29 : memref<2048xf32, #tpu.memory_space<vmem>>) target(%dma_start3A_182 : memref<2048xf32, #tpu.memory_space<hbm>>) target_semaphore(%arg34 : memref<!tpu.dma_semaphore, #tpu.memory_space<semaphore_mem>>)
    %eq3A_183 = arith.constant 0 : i32
    %eq3A_184 = arith.cmpi eq, %add3A, %eq3A_183 : i32
    %convert_element_type3A_185 = arith.extui %eq3A_184 : i1 to i32
    %cond3A_186 = arith.constant 0 : i32
    %cond3A_187 = arith.cmpi ne, %convert_element_type3A_185, %cond3A_186 : i32
    scf.if %cond3A_187 {
      %dma_wait3A_235 = arith.constant 0 : i32
      %dma_wait3A_236 = tpu.memref_slice %arg7[%dma_wait3A_235] : memref<4000000xf32, #tpu.memory_space<hbm>> -> memref<4000000xf32, #tpu.memory_space<hbm>>
      tpu.wait_indirect_dma semaphore(%arg33 : memref<!tpu.dma_semaphore, #tpu.memory_space<semaphore_mem>>) src(%dma_wait3A_236 : memref<4000000xf32, #tpu.memory_space<hbm>>) dst(%arg31 : memref<2048xf32, #tpu.memory_space<vmem>>)
      %run_scoped3A = arith.constant 0 : i32
      "tpu.region"() ({
        %run_scoped3A_237 = tpu.sem_alloc : memref<!tpu.dma_semaphore, #tpu.memory_space<semaphore_mem>>
        %dma_start3A_238 = arith.constant 0 : i32
        %dma_start3A_239 = tpu.memref_slice %arg12[%run_scoped3A, %dma_start3A_238] : memref<2x2048xf32, #tpu.memory_space<hbm>> -> memref<1x2048xf32, #tpu.memory_space<hbm>>
        %dma_start3A_240 = tpu.memref_squeeze %dma_start3A_239 : memref<1x2048xf32, #tpu.memory_space<hbm>> -> memref<2048xf32, #tpu.memory_space<hbm>>
        %dma_start3A_241 = arith.constant 0 : i32
        %dma_start3A_242 = tpu.memref_slice %arg12[%run_scoped3A, %dma_start3A_241] : memref<2x2048xf32, #tpu.memory_space<hbm>> -> memref<1x2048xf32, #tpu.memory_space<hbm>>
        %dma_start3A_243 = tpu.memref_squeeze %dma_start3A_242 : memref<1x2048xf32, #tpu.memory_space<hbm>> -> memref<2048xf32, #tpu.memory_space<hbm>>
        tpu.enqueue_dma source(%arg31 : memref<2048xf32, #tpu.memory_space<vmem>>) target(%dma_start3A_243 : memref<2048xf32, #tpu.memory_space<hbm>>) target_semaphore(%run_scoped3A_237 : memref<!tpu.dma_semaphore, #tpu.memory_space<semaphore_mem>>)
        %dma_wait3A_244 = arith.constant 0 : i32
        %dma_wait3A_245 = tpu.memref_slice %arg12[%run_scoped3A, %dma_wait3A_244] : memref<2x2048xf32, #tpu.memory_space<hbm>> -> memref<1x2048xf32, #tpu.memory_space<hbm>>
        %dma_wait3A_246 = tpu.memref_squeeze %dma_wait3A_245 : memref<1x2048xf32, #tpu.memory_space<hbm>> -> memref<2048xf32, #tpu.memory_space<hbm>>
        %dma_wait3A_247 = arith.constant 0 : i32
        %dma_wait3A_248 = tpu.memref_slice %arg12[%run_scoped3A, %dma_wait3A_247] : memref<2x2048xf32, #tpu.memory_space<hbm>> -> memref<1x2048xf32, #tpu.memory_space<hbm>>
        %dma_wait3A_249 = tpu.memref_squeeze %dma_wait3A_248 : memref<1x2048xf32, #tpu.memory_space<hbm>> -> memref<2048xf32, #tpu.memory_space<hbm>>
        tpu.wait_dma2 semaphore(%run_scoped3A_237 : memref<!tpu.dma_semaphore, #tpu.memory_space<semaphore_mem>>) src(%arg31 : memref<2048xf32, #tpu.memory_space<vmem>>) dst(%dma_wait3A_249 : memref<2048xf32, #tpu.memory_space<hbm>>)
        tpu.yield
      }) : () -> ()
    } else {
    }
    %eq3A_188 = arith.constant 1 : i32
    %eq3A_189 = arith.cmpi eq, %add3A, %eq3A_188 : i32
    %convert_element_type3A_190 = arith.extui %eq3A_189 : i1 to i32
    %cond3A_191 = arith.constant 0 : i32
    %cond3A_192 = arith.cmpi ne, %convert_element_type3A_190, %cond3A_191 : i32
    scf.if %cond3A_192 {
      %dma_wait3A_235 = arith.constant 0 : i32
      %dma_wait3A_236 = tpu.memref_slice %arg8[%dma_wait3A_235] : memref<4000000xf32, #tpu.memory_space<hbm>> -> memref<4000000xf32, #tpu.memory_space<hbm>>
      tpu.wait_indirect_dma semaphore(%arg33 : memref<!tpu.dma_semaphore, #tpu.memory_space<semaphore_mem>>) src(%dma_wait3A_236 : memref<4000000xf32, #tpu.memory_space<hbm>>) dst(%arg31 : memref<2048xf32, #tpu.memory_space<vmem>>)
      %run_scoped3A = arith.constant 1 : i32
      "tpu.region"() ({
        %run_scoped3A_237 = tpu.sem_alloc : memref<!tpu.dma_semaphore, #tpu.memory_space<semaphore_mem>>
        %dma_start3A_238 = arith.constant 0 : i32
        %dma_start3A_239 = tpu.memref_slice %arg12[%run_scoped3A, %dma_start3A_238] : memref<2x2048xf32, #tpu.memory_space<hbm>> -> memref<1x2048xf32, #tpu.memory_space<hbm>>
        %dma_start3A_240 = tpu.memref_squeeze %dma_start3A_239 : memref<1x2048xf32, #tpu.memory_space<hbm>> -> memref<2048xf32, #tpu.memory_space<hbm>>
        %dma_start3A_241 = arith.constant 0 : i32
        %dma_start3A_242 = tpu.memref_slice %arg12[%run_scoped3A, %dma_start3A_241] : memref<2x2048xf32, #tpu.memory_space<hbm>> -> memref<1x2048xf32, #tpu.memory_space<hbm>>
        %dma_start3A_243 = tpu.memref_squeeze %dma_start3A_242 : memref<1x2048xf32, #tpu.memory_space<hbm>> -> memref<2048xf32, #tpu.memory_space<hbm>>
        tpu.enqueue_dma source(%arg31 : memref<2048xf32, #tpu.memory_space<vmem>>) target(%dma_start3A_243 : memref<2048xf32, #tpu.memory_space<hbm>>) target_semaphore(%run_scoped3A_237 : memref<!tpu.dma_semaphore, #tpu.memory_space<semaphore_mem>>)
        %dma_wait3A_244 = arith.constant 0 : i32
        %dma_wait3A_245 = tpu.memref_slice %arg12[%run_scoped3A, %dma_wait3A_244] : memref<2x2048xf32, #tpu.memory_space<hbm>> -> memref<1x2048xf32, #tpu.memory_space<hbm>>
        %dma_wait3A_246 = tpu.memref_squeeze %dma_wait3A_245 : memref<1x2048xf32, #tpu.memory_space<hbm>> -> memref<2048xf32, #tpu.memory_space<hbm>>
        %dma_wait3A_247 = arith.constant 0 : i32
        %dma_wait3A_248 = tpu.memref_slice %arg12[%run_scoped3A, %dma_wait3A_247] : memref<2x2048xf32, #tpu.memory_space<hbm>> -> memref<1x2048xf32, #tpu.memory_space<hbm>>
        %dma_wait3A_249 = tpu.memref_squeeze %dma_wait3A_248 : memref<1x2048xf32, #tpu.memory_space<hbm>> -> memref<2048xf32, #tpu.memory_space<hbm>>
        tpu.wait_dma2 semaphore(%run_scoped3A_237 : memref<!tpu.dma_semaphore, #tpu.memory_space<semaphore_mem>>) src(%arg31 : memref<2048xf32, #tpu.memory_space<vmem>>) dst(%dma_wait3A_249 : memref<2048xf32, #tpu.memory_space<hbm>>)
        tpu.yield
      }) : () -> ()
    } else {
    }
    %dma_wait3A_193 = arith.constant 0 : i32
    %dma_wait3A_194 = arith.constant 0 : i32
    %dma_wait3A_195 = tpu.memref_slice %arg11[%add3A, %dma_wait3A_193, %dma_wait3A_194] : memref<16x6x2048xf32, #tpu.memory_space<hbm>> -> memref<1x1x2048xf32, #tpu.memory_space<hbm>>
    %dma_wait3A_196 = tpu.memref_squeeze %dma_wait3A_195 : memref<1x1x2048xf32, #tpu.memory_space<hbm>> -> memref<2048xf32, #tpu.memory_space<hbm>>
    %dma_wait3A_197 = arith.constant 0 : i32
    %dma_wait3A_198 = tpu.memref_slice %arg11[%add3A, %dma_wait3A_193, %dma_wait3A_197] : memref<16x6x2048xf32, #tpu.memory_space<hbm>> -> memref<1x1x2048xf32, #tpu.memory_space<hbm>>
    %dma_wait3A_199 = tpu.memref_squeeze %dma_wait3A_198 : memref<1x1x2048xf32, #tpu.memory_space<hbm>> -> memref<2048xf32, #tpu.memory_space<hbm>>
    tpu.wait_dma2 semaphore(%arg34 : memref<!tpu.dma_semaphore, #tpu.memory_space<semaphore_mem>>) src(%arg24 : memref<2048xf32, #tpu.memory_space<vmem>>) dst(%dma_wait3A_199 : memref<2048xf32, #tpu.memory_space<hbm>>)
    %dma_wait3A_200 = arith.constant 1 : i32
    %dma_wait3A_201 = arith.constant 0 : i32
    %dma_wait3A_202 = tpu.memref_slice %arg11[%add3A, %dma_wait3A_200, %dma_wait3A_201] : memref<16x6x2048xf32, #tpu.memory_space<hbm>> -> memref<1x1x2048xf32, #tpu.memory_space<hbm>>
    %dma_wait3A_203 = tpu.memref_squeeze %dma_wait3A_202 : memref<1x1x2048xf32, #tpu.memory_space<hbm>> -> memref<2048xf32, #tpu.memory_space<hbm>>
    %dma_wait3A_204 = arith.constant 0 : i32
    %dma_wait3A_205 = tpu.memref_slice %arg11[%add3A, %dma_wait3A_200, %dma_wait3A_204] : memref<16x6x2048xf32, #tpu.memory_space<hbm>> -> memref<1x1x2048xf32, #tpu.memory_space<hbm>>
    %dma_wait3A_206 = tpu.memref_squeeze %dma_wait3A_205 : memref<1x1x2048xf32, #tpu.memory_space<hbm>> -> memref<2048xf32, #tpu.memory_space<hbm>>
    tpu.wait_dma2 semaphore(%arg34 : memref<!tpu.dma_semaphore, #tpu.memory_space<semaphore_mem>>) src(%arg25 : memref<2048xf32, #tpu.memory_space<vmem>>) dst(%dma_wait3A_206 : memref<2048xf32, #tpu.memory_space<hbm>>)
    %dma_wait3A_207 = arith.constant 2 : i32
    %dma_wait3A_208 = arith.constant 0 : i32
    %dma_wait3A_209 = tpu.memref_slice %arg11[%add3A, %dma_wait3A_207, %dma_wait3A_208] : memref<16x6x2048xf32, #tpu.memory_space<hbm>> -> memref<1x1x2048xf32, #tpu.memory_space<hbm>>
    %dma_wait3A_210 = tpu.memref_squeeze %dma_wait3A_209 : memref<1x1x2048xf32, #tpu.memory_space<hbm>> -> memref<2048xf32, #tpu.memory_space<hbm>>
    %dma_wait3A_211 = arith.constant 0 : i32
    %dma_wait3A_212 = tpu.memref_slice %arg11[%add3A, %dma_wait3A_207, %dma_wait3A_211] : memref<16x6x2048xf32, #tpu.memory_space<hbm>> -> memref<1x1x2048xf32, #tpu.memory_space<hbm>>
    %dma_wait3A_213 = tpu.memref_squeeze %dma_wait3A_212 : memref<1x1x2048xf32, #tpu.memory_space<hbm>> -> memref<2048xf32, #tpu.memory_space<hbm>>
    tpu.wait_dma2 semaphore(%arg34 : memref<!tpu.dma_semaphore, #tpu.memory_space<semaphore_mem>>) src(%arg26 : memref<2048xf32, #tpu.memory_space<vmem>>) dst(%dma_wait3A_213 : memref<2048xf32, #tpu.memory_space<hbm>>)
    %dma_wait3A_214 = arith.constant 3 : i32
    %dma_wait3A_215 = arith.constant 0 : i32
    %dma_wait3A_216 = tpu.memref_slice %arg11[%add3A, %dma_wait3A_214, %dma_wait3A_215] : memref<16x6x2048xf32, #tpu.memory_space<hbm>> -> memref<1x1x2048xf32, #tpu.memory_space<hbm>>
    %dma_wait3A_217 = tpu.memref_squeeze %dma_wait3A_216 : memref<1x1x2048xf32, #tpu.memory_space<hbm>> -> memref<2048xf32, #tpu.memory_space<hbm>>
    %dma_wait3A_218 = arith.constant 0 : i32
    %dma_wait3A_219 = tpu.memref_slice %arg11[%add3A, %dma_wait3A_214, %dma_wait3A_218] : memref<16x6x2048xf32, #tpu.memory_space<hbm>> -> memref<1x1x2048xf32, #tpu.memory_space<hbm>>
    %dma_wait3A_220 = tpu.memref_squeeze %dma_wait3A_219 : memref<1x1x2048xf32, #tpu.memory_space<hbm>> -> memref<2048xf32, #tpu.memory_space<hbm>>
    tpu.wait_dma2 semaphore(%arg34 : memref<!tpu.dma_semaphore, #tpu.memory_space<semaphore_mem>>) src(%arg27 : memref<2048xf32, #tpu.memory_space<vmem>>) dst(%dma_wait3A_220 : memref<2048xf32, #tpu.memory_space<hbm>>)
    %dma_wait3A_221 = arith.constant 4 : i32
    %dma_wait3A_222 = arith.constant 0 : i32
    %dma_wait3A_223 = tpu.memref_slice %arg11[%add3A, %dma_wait3A_221, %dma_wait3A_222] : memref<16x6x2048xf32, #tpu.memory_space<hbm>> -> memref<1x1x2048xf32, #tpu.memory_space<hbm>>
    %dma_wait3A_224 = tpu.memref_squeeze %dma_wait3A_223 : memref<1x1x2048xf32, #tpu.memory_space<hbm>> -> memref<2048xf32, #tpu.memory_space<hbm>>
    %dma_wait3A_225 = arith.constant 0 : i32
    %dma_wait3A_226 = tpu.memref_slice %arg11[%add3A, %dma_wait3A_221, %dma_wait3A_225] : memref<16x6x2048xf32, #tpu.memory_space<hbm>> -> memref<1x1x2048xf32, #tpu.memory_space<hbm>>
    %dma_wait3A_227 = tpu.memref_squeeze %dma_wait3A_226 : memref<1x1x2048xf32, #tpu.memory_space<hbm>> -> memref<2048xf32, #tpu.memory_space<hbm>>
    tpu.wait_dma2 semaphore(%arg34 : memref<!tpu.dma_semaphore, #tpu.memory_space<semaphore_mem>>) src(%arg28 : memref<2048xf32, #tpu.memory_space<vmem>>) dst(%dma_wait3A_227 : memref<2048xf32, #tpu.memory_space<hbm>>)
    %dma_wait3A_228 = arith.constant 5 : i32
    %dma_wait3A_229 = arith.constant 0 : i32
    %dma_wait3A_230 = tpu.memref_slice %arg11[%add3A, %dma_wait3A_228, %dma_wait3A_229] : memref<16x6x2048xf32, #tpu.memory_space<hbm>> -> memref<1x1x2048xf32, #tpu.memory_space<hbm>>
    %dma_wait3A_231 = tpu.memref_squeeze %dma_wait3A_230 : memref<1x1x2048xf32, #tpu.memory_space<hbm>> -> memref<2048xf32, #tpu.memory_space<hbm>>
    %dma_wait3A_232 = arith.constant 0 : i32
    %dma_wait3A_233 = tpu.memref_slice %arg11[%add3A, %dma_wait3A_228, %dma_wait3A_232] : memref<16x6x2048xf32, #tpu.memory_space<hbm>> -> memref<1x1x2048xf32, #tpu.memory_space<hbm>>
    %dma_wait3A_234 = tpu.memref_squeeze %dma_wait3A_233 : memref<1x1x2048xf32, #tpu.memory_space<hbm>> -> memref<2048xf32, #tpu.memory_space<hbm>>
    tpu.wait_dma2 semaphore(%arg34 : memref<!tpu.dma_semaphore, #tpu.memory_space<semaphore_mem>>) src(%arg29 : memref<2048xf32, #tpu.memory_space<vmem>>) dst(%dma_wait3A_234 : memref<2048xf32, #tpu.memory_space<hbm>>)
    return
  }
}

module attributes {stable_mosaic.version = 14 : i64} {
  func.func @_tc_body(%arg0: i32, %arg1: memref<400x2000xf32, #tpu.memory_space<vmem>>, %arg2: memref<400x2000xf32, #tpu.memory_space<vmem>>, %arg3: memref<2000x16xf32, #tpu.memory_space<vmem>>, %arg4: memref<2000x16xf32, #tpu.memory_space<vmem>>, %arg5: memref<250x128xf32, #tpu.memory_space<vmem>>, %arg6: memref<250x128xf32, #tpu.memory_space<vmem>>, %arg7: memref<448x128xf32, #tpu.memory_space<vmem>>, %arg8: memref<448x128xf32, #tpu.memory_space<vmem>>, %arg9: memref<448x128xi32, #tpu.memory_space<vmem>>, %arg10: memref<16x6x2048xf32, #tpu.memory_space<vmem>>, %arg11: memref<2x2048xf32, #tpu.memory_space<vmem>>, %arg12: memref<4xf32, #tpu.memory_space<smem>>, %arg13: memref<2000x16xf32, #tpu.memory_space<vmem>>, %arg14: memref<2000x16xf32, #tpu.memory_space<vmem>>, %arg15: memref<2xf32, #tpu.memory_space<smem>>) attributes {dimension_semantics = [#tpu.dimension_semantics<arbitrary>], iteration_bounds = array<i64: 6>, scalar_prefetch = 0 : i64, scratch_operands = 3 : i64, tpu.core_type = #tpu.core_type<tc>, window_params = [{transform_indices = @transform_0, window_bounds = array<i64: 400, 2000>}, {transform_indices = @transform_1, window_bounds = array<i64: 400, 2000>}, {pipeline_mode = #tpu.pipeline_mode<synchronous>, transform_indices = @transform_2, window_bounds = array<i64: 2000, 16>}, {pipeline_mode = #tpu.pipeline_mode<synchronous>, transform_indices = @transform_3, window_bounds = array<i64: 2000, 16>}, {pipeline_mode = #tpu.pipeline_mode<synchronous>, transform_indices = @transform_4, window_bounds = array<i64: 250, 128>}, {pipeline_mode = #tpu.pipeline_mode<synchronous>, transform_indices = @transform_5, window_bounds = array<i64: 250, 128>}, {pipeline_mode = #tpu.pipeline_mode<synchronous>, transform_indices = @transform_6, window_bounds = array<i64: 448, 128>}, {pipeline_mode = #tpu.pipeline_mode<synchronous>, transform_indices = @transform_7, window_bounds = array<i64: 448, 128>}, {pipeline_mode = #tpu.pipeline_mode<synchronous>, transform_indices = @transform_8, window_bounds = array<i64: 448, 128>}, {pipeline_mode = #tpu.pipeline_mode<synchronous>, transform_indices = @transform_9, window_bounds = array<i64: 16, 6, 2048>}, {pipeline_mode = #tpu.pipeline_mode<synchronous>, transform_indices = @transform_10, window_bounds = array<i64: 2, 2048>}, {transform_indices = @transform_11, window_bounds = array<i64: 4>}]} {
    %lt3A = arith.constant 5 : i32
    %lt3A_0 = arith.cmpi slt, %arg0, %lt3A : i32
    %convert_element_type3A = arith.extui %lt3A_0 : i1 to i32
    %cond3A = arith.constant 0 : i32
    %cond3A_1 = arith.cmpi ne, %convert_element_type3A, %cond3A : i32
    scf.if %cond3A_1 {
      %get3A = arith.constant 0 : index
      %get3A_11 = arith.constant 0 : index
      %get3A_12 = vector.load %arg1[%get3A, %get3A_11] : memref<400x2000xf32, #tpu.memory_space<vmem>>, vector<400x2000xf32>
      %get3A_13 = arith.constant 0 : index
      %get3A_14 = arith.constant 0 : index
      %get3A_15 = vector.load %arg2[%get3A_13, %get3A_14] : memref<400x2000xf32, #tpu.memory_space<vmem>>, vector<400x2000xf32>
      %abs3A = math.absf %get3A_12 : vector<400x2000xf32>
      %ge3A = arith.constant 1.000000e-03 : f32
      %ge3A_16 = vector.broadcast %ge3A : f32 to vector<400x2000xf32>
      %ge3A_17 = arith.cmpf oge, %abs3A, %ge3A_16 : vector<400x2000xf32>
      %jit3A = arith.constant 0.000000e+00 : f32
      %broadcast_in_dim3A = vector.broadcast %jit3A : f32 to vector<400x2000xf32>
      %select_n3A = arith.select %ge3A_17, %get3A_12, %broadcast_in_dim3A : vector<400x2000xi1>, vector<400x2000xf32>
      %jit3A_18 = arith.constant 0.000000e+00 : f32
      %broadcast_in_dim3A_19 = vector.broadcast %jit3A_18 : f32 to vector<400x2000xf32>
      %select_n3A_20 = arith.select %ge3A_17, %get3A_15, %broadcast_in_dim3A_19 : vector<400x2000xi1>, vector<400x2000xf32>
      %get3A_21 = arith.constant 0 : index
      %get3A_22 = arith.constant 0 : index
      %get3A_23 = vector.load %arg3[%get3A_21, %get3A_22] : memref<2000x16xf32, #tpu.memory_space<vmem>>, vector<2000x16xf32>
      %get3A_24 = arith.constant 0 : index
      %get3A_25 = arith.constant 0 : index
      %get3A_26 = vector.load %arg4[%get3A_24, %get3A_25] : memref<2000x16xf32, #tpu.memory_space<vmem>>, vector<2000x16xf32>
      %mul3A = arith.constant 400 : i32
      %mul3A_27 = arith.muli %arg0, %mul3A : i32
      %dot_general3A = arith.constant dense<0.000000e+00> : vector<400x16xf32>
      %dot_general3A_28 = tpu.matmul %select_n3A, %get3A_23, %dot_general3A {dimension_numbers = #tpu.dot_dimension_numbers<[1], [0], [0], [1], [0, 0, 1, 1], [], []>, transpose_lhs_hint = false} : vector<400x2000xf32>, vector<2000x16xf32>, vector<400x16xf32> -> vector<400x16xf32>
      %dot_general3A_29 = arith.constant dense<0.000000e+00> : vector<400x16xf32>
      %dot_general3A_30 = tpu.matmul %select_n3A_20, %get3A_26, %dot_general3A_29 {dimension_numbers = #tpu.dot_dimension_numbers<[1], [0], [0], [1], [0, 0, 1, 1], [], []>, transpose_lhs_hint = false} : vector<400x2000xf32>, vector<2000x16xf32>, vector<400x16xf32> -> vector<400x16xf32>
      %sub3A = arith.subf %dot_general3A_28, %dot_general3A_30 : vector<400x16xf32>
      %swap3A = arith.index_cast %mul3A_27 : i32 to index
      %swap3A_31 = arith.constant 0 : index
      %swap3A_32 = vector.load %arg13[%swap3A, %swap3A_31] : memref<2000x16xf32, #tpu.memory_space<vmem>>, vector<400x16xf32>
      tpu.vector_store %arg13[%swap3A, %swap3A_31], %sub3A {strides = array<i32>} : memref<2000x16xf32, #tpu.memory_space<vmem>>, vector<400x16xf32>,
      %dot_general3A_33 = arith.constant dense<0.000000e+00> : vector<400x16xf32>
      %dot_general3A_34 = tpu.matmul %select_n3A, %get3A_26, %dot_general3A_33 {dimension_numbers = #tpu.dot_dimension_numbers<[1], [0], [0], [1], [0, 0, 1, 1], [], []>, transpose_lhs_hint = false} : vector<400x2000xf32>, vector<2000x16xf32>, vector<400x16xf32> -> vector<400x16xf32>
      %dot_general3A_35 = arith.constant dense<0.000000e+00> : vector<400x16xf32>
      %dot_general3A_36 = tpu.matmul %select_n3A_20, %get3A_23, %dot_general3A_35 {dimension_numbers = #tpu.dot_dimension_numbers<[1], [0], [0], [1], [0, 0, 1, 1], [], []>, transpose_lhs_hint = false} : vector<400x2000xf32>, vector<2000x16xf32>, vector<400x16xf32> -> vector<400x16xf32>
      %add3A = arith.addf %dot_general3A_34, %dot_general3A_36 : vector<400x16xf32>
      %swap3A_37 = arith.index_cast %mul3A_27 : i32 to index
      %swap3A_38 = arith.constant 0 : index
      %swap3A_39 = vector.load %arg14[%swap3A_37, %swap3A_38] : memref<2000x16xf32, #tpu.memory_space<vmem>>, vector<400x16xf32>
      tpu.vector_store %arg14[%swap3A_37, %swap3A_38], %add3A {strides = array<i32>} : memref<2000x16xf32, #tpu.memory_space<vmem>>, vector<400x16xf32>,
    } else {
    }
    %eq3A = arith.constant 0 : i32
    %eq3A_2 = arith.cmpi eq, %arg0, %eq3A : i32
    %convert_element_type3A_3 = arith.extui %eq3A_2 : i1 to i32
    %cond3A_4 = arith.constant 0 : i32
    %cond3A_5 = arith.cmpi ne, %convert_element_type3A_3, %cond3A_4 : i32
    scf.if %cond3A_5 {
      %get3A = arith.constant 0 : index
      %get3A_11 = arith.constant 0 : index
      %get3A_12 = vector.load %arg5[%get3A, %get3A_11] : memref<250x128xf32, #tpu.memory_space<vmem>>, vector<250x128xf32>
      %get3A_13 = arith.constant 0 : index
      %get3A_14 = arith.constant 0 : index
      %get3A_15 = vector.load %arg6[%get3A_13, %get3A_14] : memref<250x128xf32, #tpu.memory_space<vmem>>, vector<250x128xf32>
      %sub3A = arith.subf %get3A_12, %get3A_15 : vector<250x128xf32>
      %mul3A = arith.mulf %sub3A, %sub3A : vector<250x128xf32>
      %reduce_sum3A = vector.shape_cast %mul3A : vector<250x128xf32> to vector<1x250x128xf32>
      %reduce_sum3A_16 = arith.constant dense<0.000000e+00> : vector<1xf32>
      %reduce_sum3A_17 = vector.multi_reduction <add>, %reduce_sum3A, %reduce_sum3A_16 [1, 2] : vector<1x250x128xf32> to vector<1xf32>
      %reduce_sum3A_18 = vector.shape_cast %reduce_sum3A_17 : vector<1xf32> to vector<1x1x1xf32>
      %reduce_sum3A_19 = vector.extract %reduce_sum3A_18[0, 0, 0] : f32 from vector<1x1x1xf32>
      %swap3A = arith.constant 0 : index
      %swap3A_20 = memref.load %arg15[%swap3A] : memref<2xf32, #tpu.memory_space<smem>>
      memref.store %reduce_sum3A_19, %arg15[%swap3A] : memref<2xf32, #tpu.memory_space<smem>>
      %get3A_21 = arith.constant 0 : index
      %get3A_22 = arith.constant 0 : index
      %get3A_23 = vector.load %arg7[%get3A_21, %get3A_22] : memref<448x128xf32, #tpu.memory_space<vmem>>, vector<448x128xf32>
      %get3A_24 = arith.constant 0 : index
      %get3A_25 = arith.constant 0 : index
      %get3A_26 = vector.load %arg8[%get3A_24, %get3A_25] : memref<448x128xf32, #tpu.memory_space<vmem>>, vector<448x128xf32>
      %max3A = arith.maximumf %get3A_23, %get3A_26 : vector<448x128xf32>
      %sub3A_27 = arith.subf %get3A_23, %max3A : vector<448x128xf32>
      %exp3A = math.exp %sub3A_27 : vector<448x128xf32>
      %sub3A_28 = arith.subf %get3A_26, %max3A : vector<448x128xf32>
      %exp3A_29 = math.exp %sub3A_28 : vector<448x128xf32>
      %add3A = arith.addf %exp3A, %exp3A_29 : vector<448x128xf32>
      %log3A = math.log %add3A : vector<448x128xf32>
      %add3A_30 = arith.addf %max3A, %log3A : vector<448x128xf32>
      %get3A_31 = arith.constant 0 : index
      %get3A_32 = arith.constant 0 : index
      %get3A_33 = vector.load %arg9[%get3A_31, %get3A_32] : memref<448x128xi32, #tpu.memory_space<vmem>>, vector<448x128xi32>
      %eq3A_34 = arith.constant 0 : i32
      %eq3A_35 = vector.broadcast %eq3A_34 : i32 to vector<448x128xi32>
      %eq3A_36 = arith.cmpi eq, %get3A_33, %eq3A_35 : vector<448x128xi32>
      %select_n3A = arith.select %eq3A_36, %get3A_23, %get3A_26 : vector<448x128xi1>, vector<448x128xf32>
      %sub3A_37 = arith.subf %add3A_30, %select_n3A : vector<448x128xf32>
      %reduce_sum3A_38 = vector.shape_cast %sub3A_37 : vector<448x128xf32> to vector<1x448x128xf32>
      %reduce_sum3A_39 = arith.constant dense<0.000000e+00> : vector<1xf32>
      %reduce_sum3A_40 = vector.multi_reduction <add>, %reduce_sum3A_38, %reduce_sum3A_39 [1, 2] : vector<1x448x128xf32> to vector<1xf32>
      %reduce_sum3A_41 = vector.shape_cast %reduce_sum3A_40 : vector<1xf32> to vector<1x1x1xf32>
      %reduce_sum3A_42 = vector.extract %reduce_sum3A_41[0, 0, 0] : f32 from vector<1x1x1xf32>
      %swap3A_43 = arith.constant 1 : index
      %swap3A_44 = memref.load %arg15[%swap3A_43] : memref<2xf32, #tpu.memory_space<smem>>
      memref.store %reduce_sum3A_42, %arg15[%swap3A_43] : memref<2xf32, #tpu.memory_space<smem>>
    } else {
    }
    %eq3A_6 = arith.constant 5 : i32
    %eq3A_7 = arith.cmpi eq, %arg0, %eq3A_6 : i32
    %convert_element_type3A_8 = arith.extui %eq3A_7 : i1 to i32
    %cond3A_9 = arith.constant 0 : i32
    %cond3A_10 = arith.cmpi ne, %convert_element_type3A_8, %cond3A_9 : i32
    scf.if %cond3A_10 {
      %get3A = arith.constant 0 : index
      %get3A_11 = arith.constant 0 : index
      %get3A_12 = arith.constant 0 : index
      %get3A_13 = vector.load %arg10[%get3A, %get3A_11, %get3A_12] : memref<16x6x2048xf32, #tpu.memory_space<vmem>>, vector<16x6x2048xf32>
      %reshape3A = vector.shape_cast %get3A_13 : vector<16x6x2048xf32> to vector<8x2x6x2048xf32>
      %reduce_sum3A = arith.constant dense<0.000000e+00> : vector<8x6x2048xf32>
      %reduce_sum3A_14 = vector.multi_reduction <add>, %reshape3A, %reduce_sum3A [1] : vector<8x2x6x2048xf32> to vector<8x6x2048xf32>
      %slice3A = vector.extract_strided_slice %reduce_sum3A_14 {offsets = [0, 0, 0], sizes = [8, 1, 2000], strides = [1, 1, 1]} : vector<8x6x2048xf32> to vector<8x1x2000xf32>
      %squeeze3A = vector.shape_cast %slice3A : vector<8x1x2000xf32> to vector<8x2000xf32>
      %slice3A_15 = vector.extract_strided_slice %reduce_sum3A_14 {offsets = [0, 1, 0], sizes = [8, 1, 2000], strides = [1, 1, 1]} : vector<8x6x2048xf32> to vector<8x1x2000xf32>
      %squeeze3A_16 = vector.shape_cast %slice3A_15 : vector<8x1x2000xf32> to vector<8x2000xf32>
      %slice3A_17 = vector.extract_strided_slice %reduce_sum3A_14 {offsets = [0, 2, 0], sizes = [8, 1, 2000], strides = [1, 1, 1]} : vector<8x6x2048xf32> to vector<8x1x2000xf32>
      %squeeze3A_18 = vector.shape_cast %slice3A_17 : vector<8x1x2000xf32> to vector<8x2000xf32>
      %slice3A_19 = vector.extract_strided_slice %reduce_sum3A_14 {offsets = [0, 3, 0], sizes = [8, 1, 2000], strides = [1, 1, 1]} : vector<8x6x2048xf32> to vector<8x1x2000xf32>
      %squeeze3A_20 = vector.shape_cast %slice3A_19 : vector<8x1x2000xf32> to vector<8x2000xf32>
      %slice3A_21 = vector.extract_strided_slice %reduce_sum3A_14 {offsets = [0, 4, 0], sizes = [8, 1, 2000], strides = [1, 1, 1]} : vector<8x6x2048xf32> to vector<8x1x2000xf32>
      %squeeze3A_22 = vector.shape_cast %slice3A_21 : vector<8x1x2000xf32> to vector<8x2000xf32>
      %slice3A_23 = vector.extract_strided_slice %reduce_sum3A_14 {offsets = [0, 5, 0], sizes = [8, 1, 2000], strides = [1, 1, 1]} : vector<8x6x2048xf32> to vector<8x1x2000xf32>
      %squeeze3A_24 = vector.shape_cast %slice3A_23 : vector<8x1x2000xf32> to vector<8x2000xf32>
      %get3A_25 = arith.constant 0 : index
      %get3A_26 = arith.constant 0 : index
      %get3A_27 = vector.load %arg11[%get3A_25, %get3A_26] : memref<2x2048xf32, #tpu.memory_space<vmem>>, vector<1x2000xf32>
      %get3A_28 = arith.constant 1 : index
      %get3A_29 = arith.constant 0 : index
      %get3A_30 = vector.load %arg11[%get3A_28, %get3A_29] : memref<2x2048xf32, #tpu.memory_space<vmem>>, vector<1x2000xf32>
      %add3A = vector.broadcast %get3A_27 : vector<1x2000xf32> to vector<8x2000xf32>
      %add3A_31 = arith.addf %add3A, %squeeze3A : vector<8x2000xf32>
      %add3A_32 = vector.broadcast %get3A_30 : vector<1x2000xf32> to vector<8x2000xf32>
      %add3A_33 = arith.addf %add3A_32, %squeeze3A_16 : vector<8x2000xf32>
      %abs3A = math.absf %add3A_31 : vector<8x2000xf32>
      %ge3A = arith.constant 1.000000e-03 : f32
      %ge3A_34 = vector.broadcast %ge3A : f32 to vector<8x2000xf32>
      %ge3A_35 = arith.cmpf oge, %abs3A, %ge3A_34 : vector<8x2000xf32>
      %jit3A = arith.constant 0.000000e+00 : f32
      %broadcast_in_dim3A = vector.broadcast %jit3A : f32 to vector<8x2000xf32>
      %select_n3A = arith.select %ge3A_35, %add3A_31, %broadcast_in_dim3A : vector<8x2000xi1>, vector<8x2000xf32>
      %jit3A_36 = arith.constant 0.000000e+00 : f32
      %broadcast_in_dim3A_37 = vector.broadcast %jit3A_36 : f32 to vector<8x2000xf32>
      %select_n3A_38 = arith.select %ge3A_35, %add3A_33, %broadcast_in_dim3A_37 : vector<8x2000xi1>, vector<8x2000xf32>
      %abs3A_39 = math.absf %get3A_27 : vector<1x2000xf32>
      %ge3A_40 = arith.constant 1.000000e-03 : f32
      %ge3A_41 = vector.broadcast %ge3A_40 : f32 to vector<1x2000xf32>
      %ge3A_42 = arith.cmpf oge, %abs3A_39, %ge3A_41 : vector<1x2000xf32>
      %jit3A_43 = arith.constant 0.000000e+00 : f32
      %broadcast_in_dim3A_44 = vector.broadcast %jit3A_43 : f32 to vector<1x2000xf32>
      %select_n3A_45 = arith.select %ge3A_42, %get3A_27, %broadcast_in_dim3A_44 : vector<1x2000xi1>, vector<1x2000xf32>
      %sub3A = vector.broadcast %select_n3A_45 : vector<1x2000xf32> to vector<8x2000xf32>
      %sub3A_46 = arith.subf %select_n3A, %sub3A : vector<8x2000xf32>
      %jit3A_47 = arith.constant 0.000000e+00 : f32
      %broadcast_in_dim3A_48 = vector.broadcast %jit3A_47 : f32 to vector<1x2000xf32>
      %select_n3A_49 = arith.select %ge3A_42, %get3A_30, %broadcast_in_dim3A_48 : vector<1x2000xi1>, vector<1x2000xf32>
      %sub3A_50 = vector.broadcast %select_n3A_49 : vector<1x2000xf32> to vector<8x2000xf32>
      %sub3A_51 = arith.subf %select_n3A_38, %sub3A_50 : vector<8x2000xf32>
      %get3A_52 = arith.constant 0 : index
      %get3A_53 = arith.constant 0 : index
      %get3A_54 = vector.load %arg13[%get3A_52, %get3A_53] : memref<2000x16xf32, #tpu.memory_space<vmem>>, vector<2000x16xf32>
      %transpose3A = tpu.transpose %get3A_54, [1, 0] : vector<2000x16xf32> -> vector<16x2000xf32>
      %get3A_55 = arith.constant 0 : index
      %get3A_56 = arith.constant 0 : index
      %get3A_57 = vector.load %arg14[%get3A_55, %get3A_56] : memref<2000x16xf32, #tpu.memory_space<vmem>>, vector<2000x16xf32>
      %transpose3A_58 = tpu.transpose %get3A_57, [1, 0] : vector<2000x16xf32> -> vector<16x2000xf32>
      %get3A_59 = arith.constant 0 : index
      %get3A_60 = arith.constant 0 : index
      %get3A_61 = vector.load %arg3[%get3A_59, %get3A_60] : memref<2000x16xf32, #tpu.memory_space<vmem>>, vector<2000x16xf32>
      %transpose3A_62 = tpu.transpose %get3A_61, [1, 0] : vector<2000x16xf32> -> vector<16x2000xf32>
      %get3A_63 = arith.constant 0 : index
      %get3A_64 = arith.constant 0 : index
      %get3A_65 = vector.load %arg4[%get3A_63, %get3A_64] : memref<2000x16xf32, #tpu.memory_space<vmem>>, vector<2000x16xf32>
      %transpose3A_66 = tpu.transpose %get3A_65, [1, 0] : vector<2000x16xf32> -> vector<16x2000xf32>
      %slice3A_67 = vector.extract_strided_slice %transpose3A_62 {offsets = [0, 0], sizes = [8, 2000], strides = [1, 1]} : vector<16x2000xf32> to vector<8x2000xf32>
      %slice3A_68 = vector.extract_strided_slice %transpose3A_66 {offsets = [0, 0], sizes = [8, 2000], strides = [1, 1]} : vector<16x2000xf32> to vector<8x2000xf32>
      %slice3A_69 = vector.extract_strided_slice %transpose3A_62 {offsets = [8, 0], sizes = [8, 2000], strides = [1, 1]} : vector<16x2000xf32> to vector<8x2000xf32>
      %slice3A_70 = vector.extract_strided_slice %transpose3A_66 {offsets = [8, 0], sizes = [8, 2000], strides = [1, 1]} : vector<16x2000xf32> to vector<8x2000xf32>
      %slice3A_71 = vector.extract_strided_slice %transpose3A {offsets = [0, 0], sizes = [8, 2000], strides = [1, 1]} : vector<16x2000xf32> to vector<8x2000xf32>
      %mul3A = arith.mulf %sub3A_46, %slice3A_67 : vector<8x2000xf32>
      %add3A_72 = arith.addf %slice3A_71, %mul3A : vector<8x2000xf32>
      %mul3A_73 = arith.mulf %sub3A_51, %slice3A_68 : vector<8x2000xf32>
      %sub3A_74 = arith.subf %add3A_72, %mul3A_73 : vector<8x2000xf32>
      %sub3A_75 = arith.subf %sub3A_74, %squeeze3A_18 : vector<8x2000xf32>
      %slice3A_76 = vector.extract_strided_slice %transpose3A_58 {offsets = [0, 0], sizes = [8, 2000], strides = [1, 1]} : vector<16x2000xf32> to vector<8x2000xf32>
      %mul3A_77 = arith.mulf %sub3A_46, %slice3A_68 : vector<8x2000xf32>
      %add3A_78 = arith.addf %slice3A_76, %mul3A_77 : vector<8x2000xf32>
      %mul3A_79 = arith.mulf %sub3A_51, %slice3A_67 : vector<8x2000xf32>
      %add3A_80 = arith.addf %add3A_78, %mul3A_79 : vector<8x2000xf32>
      %sub3A_81 = arith.subf %add3A_80, %squeeze3A_20 : vector<8x2000xf32>
      %slice3A_82 = vector.extract_strided_slice %transpose3A {offsets = [8, 0], sizes = [8, 2000], strides = [1, 1]} : vector<16x2000xf32> to vector<8x2000xf32>
      %mul3A_83 = arith.mulf %sub3A_46, %slice3A_69 : vector<8x2000xf32>
      %add3A_84 = arith.addf %slice3A_82, %mul3A_83 : vector<8x2000xf32>
      %mul3A_85 = arith.mulf %sub3A_51, %slice3A_70 : vector<8x2000xf32>
      %sub3A_86 = arith.subf %add3A_84, %mul3A_85 : vector<8x2000xf32>
      %sub3A_87 = arith.subf %sub3A_86, %squeeze3A_22 : vector<8x2000xf32>
      %slice3A_88 = vector.extract_strided_slice %transpose3A_58 {offsets = [8, 0], sizes = [8, 2000], strides = [1, 1]} : vector<16x2000xf32> to vector<8x2000xf32>
      %mul3A_89 = arith.mulf %sub3A_46, %slice3A_70 : vector<8x2000xf32>
      %add3A_90 = arith.addf %slice3A_88, %mul3A_89 : vector<8x2000xf32>
      %mul3A_91 = arith.mulf %sub3A_51, %slice3A_69 : vector<8x2000xf32>
      %add3A_92 = arith.addf %add3A_90, %mul3A_91 : vector<8x2000xf32>
      %sub3A_93 = arith.subf %add3A_92, %squeeze3A_24 : vector<8x2000xf32>
      %mul3A_94 = arith.mulf %slice3A_67, %sub3A_75 : vector<8x2000xf32>
      %mul3A_95 = arith.mulf %slice3A_68, %sub3A_81 : vector<8x2000xf32>
      %add3A_96 = arith.addf %mul3A_94, %mul3A_95 : vector<8x2000xf32>
      %mul3A_97 = arith.mulf %slice3A_68, %sub3A_75 : vector<8x2000xf32>
      %mul3A_98 = arith.mulf %slice3A_67, %sub3A_81 : vector<8x2000xf32>
      %sub3A_99 = arith.subf %mul3A_97, %mul3A_98 : vector<8x2000xf32>
      %mul3A_100 = arith.mulf %slice3A_69, %sub3A_87 : vector<8x2000xf32>
      %mul3A_101 = arith.mulf %slice3A_70, %sub3A_93 : vector<8x2000xf32>
      %add3A_102 = arith.addf %mul3A_100, %mul3A_101 : vector<8x2000xf32>
      %mul3A_103 = arith.mulf %slice3A_70, %sub3A_87 : vector<8x2000xf32>
      %mul3A_104 = arith.mulf %slice3A_69, %sub3A_93 : vector<8x2000xf32>
      %sub3A_105 = arith.subf %mul3A_103, %mul3A_104 : vector<8x2000xf32>
      %sub3A_106 = arith.subf %add3A_96, %add3A_102 : vector<8x2000xf32>
      %sub3A_107 = arith.subf %sub3A_99, %sub3A_105 : vector<8x2000xf32>
      %mul3A_108 = arith.mulf %sub3A_106, %sub3A_106 : vector<8x2000xf32>
      %reduce_sum3A_109 = vector.shape_cast %mul3A_108 : vector<8x2000xf32> to vector<1x8x2000xf32>
      %reduce_sum3A_110 = arith.constant dense<0.000000e+00> : vector<1xf32>
      %reduce_sum3A_111 = vector.multi_reduction <add>, %reduce_sum3A_109, %reduce_sum3A_110 [1, 2] : vector<1x8x2000xf32> to vector<1xf32>
      %reduce_sum3A_112 = vector.shape_cast %reduce_sum3A_111 : vector<1xf32> to vector<1x1x1xf32>
      %reduce_sum3A_113 = vector.extract %reduce_sum3A_112[0, 0, 0] : f32 from vector<1x1x1xf32>
      %mul3A_114 = arith.mulf %sub3A_107, %sub3A_107 : vector<8x2000xf32>
      %reduce_sum3A_115 = vector.shape_cast %mul3A_114 : vector<8x2000xf32> to vector<1x8x2000xf32>
      %reduce_sum3A_116 = arith.constant dense<0.000000e+00> : vector<1xf32>
      %reduce_sum3A_117 = vector.multi_reduction <add>, %reduce_sum3A_115, %reduce_sum3A_116 [1, 2] : vector<1x8x2000xf32> to vector<1xf32>
      %reduce_sum3A_118 = vector.shape_cast %reduce_sum3A_117 : vector<1xf32> to vector<1x1x1xf32>
      %reduce_sum3A_119 = vector.extract %reduce_sum3A_118[0, 0, 0] : f32 from vector<1x1x1xf32>
      %add3A_120 = arith.addf %reduce_sum3A_113, %reduce_sum3A_119 : f32
      %div3A = arith.constant 3.200000e+04 : f32
      %div3A_121 = arith.divf %add3A_120, %div3A : f32
      %get3A_122 = arith.constant 0 : index
      %get3A_123 = memref.load %arg15[%get3A_122] : memref<2xf32, #tpu.memory_space<smem>>
      %div3A_124 = arith.constant 3.200000e+04 : f32
      %div3A_125 = arith.divf %get3A_123, %div3A_124 : f32
      %get3A_126 = arith.constant 1 : index
      %get3A_127 = memref.load %arg15[%get3A_126] : memref<2xf32, #tpu.memory_space<smem>>
      %div3A_128 = arith.constant 5.651200e+04 : f32
      %div3A_129 = arith.divf %get3A_127, %div3A_128 : f32
      %mul3A_130 = arith.constant 5.000000e-01 : f32
      %mul3A_131 = arith.mulf %mul3A_130, %div3A_129 : f32
      %add3A_132 = arith.addf %div3A_125, %mul3A_131 : f32
      %mul3A_133 = arith.constant 1.000000e-01 : f32
      %mul3A_134 = arith.mulf %mul3A_133, %div3A_121 : f32
      %add3A_135 = arith.addf %add3A_132, %mul3A_134 : f32
      %swap3A = arith.constant 0 : index
      %swap3A_136 = memref.load %arg12[%swap3A] : memref<4xf32, #tpu.memory_space<smem>>
      memref.store %add3A_135, %arg12[%swap3A] : memref<4xf32, #tpu.memory_space<smem>>
      %swap3A_137 = arith.constant 1 : index
      %swap3A_138 = memref.load %arg12[%swap3A_137] : memref<4xf32, #tpu.memory_space<smem>>
      memref.store %div3A_125, %arg12[%swap3A_137] : memref<4xf32, #tpu.memory_space<smem>>
      %swap3A_139 = arith.constant 2 : index
      %swap3A_140 = memref.load %arg12[%swap3A_139] : memref<4xf32, #tpu.memory_space<smem>>
      memref.store %div3A_129, %arg12[%swap3A_139] : memref<4xf32, #tpu.memory_space<smem>>
      %swap3A_141 = arith.constant 3 : index
      %swap3A_142 = memref.load %arg12[%swap3A_141] : memref<4xf32, #tpu.memory_space<smem>>
      memref.store %div3A_121, %arg12[%swap3A_141] : memref<4xf32, #tpu.memory_space<smem>>
    } else {
    }
    return
  }
  func.func @transform_0(%arg0: i32) -> (i32, i32) {
    %min3A = arith.constant 4 : i32
    %min3A_0 = arith.minsi %arg0, %min3A : i32
    %c0_i32 = arith.constant 0 : i32
    %c0_i32_1 = arith.constant 0 : i32
    return %min3A_0, %c0_i32 : i32, i32
  }
  func.func @transform_1(%arg0: i32) -> (i32, i32) {
    %min3A = arith.constant 4 : i32
    %min3A_0 = arith.minsi %arg0, %min3A : i32
    %c0_i32 = arith.constant 0 : i32
    %c0_i32_1 = arith.constant 0 : i32
    return %min3A_0, %c0_i32 : i32, i32
  }
  func.func @transform_2(%arg0: i32) -> (i32, i32) {
    %c0_i32 = arith.constant 0 : i32
    %c0_i32_0 = arith.constant 0 : i32
    %c0_i32_1 = arith.constant 0 : i32
    return %c0_i32, %c0_i32_0 : i32, i32
  }
  func.func @transform_3(%arg0: i32) -> (i32, i32) {
    %c0_i32 = arith.constant 0 : i32
    %c0_i32_0 = arith.constant 0 : i32
    %c0_i32_1 = arith.constant 0 : i32
    return %c0_i32, %c0_i32_0 : i32, i32
  }
  func.func @transform_4(%arg0: i32) -> (i32, i32) {
    %c0_i32 = arith.constant 0 : i32
    %c0_i32_0 = arith.constant 0 : i32
    %c0_i32_1 = arith.constant 0 : i32
    return %c0_i32, %c0_i32_0 : i32, i32
  }
  func.func @transform_5(%arg0: i32) -> (i32, i32) {
    %c0_i32 = arith.constant 0 : i32
    %c0_i32_0 = arith.constant 0 : i32
    %c0_i32_1 = arith.constant 0 : i32
    return %c0_i32, %c0_i32_0 : i32, i32
  }
  func.func @transform_6(%arg0: i32) -> (i32, i32) {
    %c0_i32 = arith.constant 0 : i32
    %c0_i32_0 = arith.constant 0 : i32
    %c0_i32_1 = arith.constant 0 : i32
    return %c0_i32, %c0_i32_0 : i32, i32
  }
  func.func @transform_7(%arg0: i32) -> (i32, i32) {
    %c0_i32 = arith.constant 0 : i32
    %c0_i32_0 = arith.constant 0 : i32
    %c0_i32_1 = arith.constant 0 : i32
    return %c0_i32, %c0_i32_0 : i32, i32
  }
  func.func @transform_8(%arg0: i32) -> (i32, i32) {
    %c0_i32 = arith.constant 0 : i32
    %c0_i32_0 = arith.constant 0 : i32
    %c0_i32_1 = arith.constant 0 : i32
    return %c0_i32, %c0_i32_0 : i32, i32
  }
  func.func @transform_9(%arg0: i32) -> (i32, i32, i32) {
    %c0_i32 = arith.constant 0 : i32
    %c0_i32_0 = arith.constant 0 : i32
    %c0_i32_1 = arith.constant 0 : i32
    %c0_i32_2 = arith.constant 0 : i32
    return %c0_i32, %c0_i32_0, %c0_i32_1 : i32, i32, i32
  }
  func.func @transform_10(%arg0: i32) -> (i32, i32) {
    %c0_i32 = arith.constant 0 : i32
    %c0_i32_0 = arith.constant 0 : i32
    %c0_i32_1 = arith.constant 0 : i32
    return %c0_i32, %c0_i32_0 : i32, i32
  }
  func.func @transform_11(%arg0: i32) -> i32 {
    %c0_i32 = arith.constant 0 : i32
    %c0_i32_0 = arith.constant 0 : i32
    return %c0_i32 : i32
  }
}

</mosaic_0001>

<sc_bundles>
// kernel: kernel.4.cloned.1.call-start
scs
__scs_entry_jumppad:
0x0: {  	(pc) =	sbr.rel $0x88, $3  }
0x1: {  	(tag) =	ssettag $0x0;
	lr =	simm.s32 $0x1  }
0x2: {  	[smem:$0x3F99] =	sst lr;
	_ =	strace $0xD0000000  }
0x3: {  	_ = 	snop  }
0x4: {  	_ = 	snop  }
0x5: {  	_ = 	snop  }
0x6: {  	_ = 	snop  }
0x7: {  	_ = 	snop  }
__scs_overlays_trampoline_lowered:
0x8: {  	[smem:$0x3FA8] =	sst s0  }
0x9: {  	[smem:$0x3FA9] =	sst s1  }
0xa: {  	[smem:$0x3FAA] =	sst s2  }
0xb: {  	[smem:$0x3FAB] =	sst s3  }
0xc: {  	[smem:$0x3FAC] =	sst s4  }
0xd: {  	[smem:$0x3FAD] =	sst s5  }
0xe: {  	[smem:$0x3FAE] =	sst s6  }
0xf: {  	[smem:$0x3FAF] =	sst s7  }
0x10: {  	[smem:$0x3FB0] =	sst s8  }
0x11: {  	[smem:$0x3FB1] =	sst s9;
	s0 =	simm.s32 @!p0 $0x0  }
0x12: {  	s1 =	sld [smem:$0x3F97];
	s0 =	simm.s32 @p0 $0x1  }
0x13: {  	[smem:$0x3FB2] =	sst s0;
	s0 =	simm.s32 @!p1 $0x0  }
0x14: {  	s2 =	sld [smem:$0x3F96];
	s0 =	simm.s32 @p1 $0x1  }
0x15: {  	[smem:$0x3FB3] =	sst s0;
	s0 =	simm.s32 @!p2 $0x0  }
0x16: {  	s3 =	sld [smem:$0x3FDB];
	s0 =	simm.s32 @p2 $0x1  }
0x17: {  	s4 =	simm.s32 $0x1BF5;
	[smem:$0x3FB5] =	sst s0  }
0x18: {  	s0 =	sld [smem:$0x3F98];
	_ =	swait.ge [sflag:s4], $0x0  }
0x19: {  	s7 =	sld [smem:$0x3F99]  }
0x1a: {  	s8 =	sadd.s32 $0xFFFFE003, lr  }
0x1b: {  	s9 =	sadd.s32 $0xFFFFFEF7, lr;
	s5 =	simm.s32 $0xFFFFFFFF;
	p2 =	slt.u32 s8, $0xFFFFF086  }
0x1c: {  	p1 =	slt.u32 s9, $0xF7A;
	s5 =	simm.s32 @!p2 $0x0  }
0x1d: {  	s5 =	simm.s32 @p1 $0x1;
	p0 =	seq.s32 s7, s2  }
0x1e: {  	s7 =	smul.u32 @!p0 $0xF7A, s2;
	p2 =	seq.s32 @!p0 s5, $0x0  }
0x1f: {  	s9 =	smul.u32 $0xF7A, s1;
	s8 =	simm.s32 @!p0 $0x1BF5;
	p2 =	por !p2, p0  }
0x20: {  	[sflag:s8] =	ssyncset.s32 @!p0 $0xFFFFF086;
	s6 =	sadd.s32 @!p0 s3, s7;
	s7 =	simm.s32 @!p0 $0x108  }
0x21: {  	s3 =	sadd.s32 s3, s9;
	s6 =	sadd.s32 @!p0 $0x88, s6;
	s7 =	simm.s32 @p2 $0x1082  }
0x22: {  	[simem:s7], [sflag:s8] =	dma.local @!p0 [hbm:s6], $0xF7A  }
0x23: {  	s9 =	sor.u32 $0xD0000000, s2;
	s6 =	simm.s32 $0x108;
	_ =	swait.ge @!p0 [sflag:s8], $0x0  }
0x24: {  	s3 =	sadd.s32 $0x88, s3;
	s6 =	simm.s32 @!p1 $0x1082;
	[sflag:s4] =	ssyncset.s32 $0xFFFFF086  }
0x25: {  	[simem:s6], [sflag:s4] =	dma.local [hbm:s3], $0xF7A  }
0x26: {  	[smem:$0x3F99] =	sst s1;
	(tag) =	ssettag s2;
	_ =	strace s9  }
0x27: {  	s1 =	sld [smem:$0x3FA9]  }
0x28: {  	s2 =	sld [smem:$0x3FAA]  }
0x29: {  	s4 =	sld [smem:$0x3FAC]  }
0x2a: {  	p0 =	seq.s32 s5, $0x0;
	s5 =	sld [smem:$0x3FAD]  }
0x2b: {  	s6 =	sld [smem:$0x3FAE]  }
0x2c: {  	s7 =	sld [smem:$0x3FAF]  }
0x2d: {  	s3 =	simm.s32 $0x108;
	s8 =	sld [smem:$0x3FB0]  }
0x2e: {  	s3 =	simm.s32 @!p0 $0x1082;
	s9 =	sld [smem:$0x3FB1]  }
0x2f: {  	lr =	sadd.s32 s0, s3;
	s0 =	sld [smem:$0x3FA8]  }
0x30: {  	s3 =	sld [smem:$0x3FAB]  }
0x31: {  	[smem:$0x3FB4] =	sst s10  }
0x32: {  	s10 =	sld [smem:$0x3FB2];
	_ =	sdelay $0x3  }
0x33: {  	p0 =	seq.s32 s10, $0x1;
	s10 =	sld [smem:$0x3FB4];
	_ =	sdelay $0x3  }
0x34: {  	[smem:$0x3FB4] =	sst s10  }
0x35: {  	s10 =	sld [smem:$0x3FB3];
	_ =	sdelay $0x3  }
0x36: {  	p1 =	seq.s32 s10, $0x1;
	s10 =	sld [smem:$0x3FB4];
	_ =	sdelay $0x3  }
0x37: {  	[smem:$0x3FB4] =	sst s10  }
0x38: {  	s10 =	sld [smem:$0x3FB5]  }
0x39: {  	_ = 	snop;
	(pc) =	sbr.ind lr, $3  }
0x3a: {  	_ = 	snop  }
0x3b: {  	_ = 	snop  }
0x3c: {  	p2 =	seq.s32 s10, $0x1;
	s10 =	sld [smem:$0x3FB4]  }
0x3d: {  	_ =	shalt  }
0x3e: {  	_ =	shalt  }
0x3f: {  	_ =	shalt  }
0x40: {  	_ =	shalt  }
0x41: {  	_ =	shalt  }
0x42: {  	_ =	shalt  }
0x43: {  	_ =	shalt  }
0x44: {  	_ =	shalt  }
0x45: {  	_ =	shalt  }
0x46: {  	_ =	shalt  }
0x47: {  	_ =	shalt  }
0x48: {  	_ =	shalt  }
0x49: {  	_ =	shalt  }
0x4a: {  	_ =	shalt  }
0x4b: {  	_ =	shalt  }
0x4c: {  	_ =	shalt  }
0x4d: {  	_ =	shalt  }
0x4e: {  	_ =	shalt  }
0x4f: {  	_ =	shalt  }
0x50: {  	_ =	shalt  }
0x51: {  	_ =	shalt  }
0x52: {  	_ =	shalt  }
0x53: {  	_ =	shalt  }
0x54: {  	_ =	shalt  }
0x55: {  	_ =	shalt  }
0x56: {  	_ =	shalt  }
0x57: {  	_ =	shalt  }
0x58: {  	_ =	shalt  }
0x59: {  	_ =	shalt  }
0x5a: {  	_ =	shalt  }
0x5b: {  	_ =	shalt  }
0x5c: {  	_ =	shalt  }
0x5d: {  	_ =	shalt  }
0x5e: {  	_ =	shalt  }
0x5f: {  	_ =	shalt  }
0x60: {  	_ =	shalt  }
0x61: {  	_ =	shalt  }
0x62: {  	_ =	shalt  }
0x63: {  	_ =	shalt  }
0x64: {  	_ =	shalt  }
0x65: {  	_ =	shalt  }
0x66: {  	_ =	shalt  }
0x67: {  	_ =	shalt  }
0x68: {  	_ =	shalt  }
0x69: {  	_ =	shalt  }
0x6a: {  	_ =	shalt  }
0x6b: {  	_ =	shalt  }
0x6c: {  	_ =	shalt  }
0x6d: {  	_ =	shalt  }
0x6e: {  	_ =	shalt  }
0x6f: {  	_ =	shalt  }
0x70: {  	_ =	shalt  }
0x71: {  	_ =	shalt  }
0x72: {  	_ =	shalt  }
0x73: {  	_ =	shalt  }
0x74: {  	_ =	shalt  }
0x75: {  	_ =	shalt  }
0x76: {  	_ =	shalt  }
0x77: {  	_ =	shalt  }
0x78: {  	_ =	shalt  }
0x79: {  	_ =	shalt  }
0x7a: {  	_ =	shalt  }
0x7b: {  	_ =	shalt  }
0x7c: {  	_ =	shalt  }
0x7d: {  	_ =	shalt  }
0x7e: {  	_ =	shalt  }
0x7f: {  	_ =	shalt  }
0x80: {  	_ =	shalt  }
0x81: {  	_ =	shalt  }
0x82: {  	_ =	shalt  }
0x83: {  	_ =	shalt  }
0x84: {  	_ =	shalt  }
0x85: {  	_ =	shalt  }
0x86: {  	_ =	shalt  }
0x87: {  	_ =	shalt  }
.Lfunc_end0:
.L_simem_size_0:
called_computation_lowered:
.L_overlay_start_0:
0x88: {  	s0 =	sld [smem:$0x3FD9]  }
0x89: {  	s1 =	sld [smem:$0x3FFE];
	_ =	sdelay $0x3  }
0x8a: {  	s0 =	sadd.s32 s1, s0  }
0x8b: {  	[smem:$0x3FC0] =	sst s0  }
0x8c: {  	_ = 	snop  }
0x8d: {  	(tm) =	ssettm $0x1  }
0x8e: {  	s15 =	sld [smem:$0x3FFB];
	_ =	sdelay $0x3  }
0x8f: {  	_ =	strace s15  }
0x90: {  	s0 =	sld [smem:$0x3FFC];
	_ =	sdelay $0x3  }
0x91: {  	_ =	strace s0  }
0x92: {  	s0 =	sld [smem:$0x3FFD];
	_ =	sdelay $0x3  }
0x93: {  	_ =	strace s0  }
0x94: {  	_ =	strace $0x8FFFFFFF  }
0x95: {  	s16 =	sld [smem:$0x3FDB];
	_ =	sdelay $0x1  }
0x96: {  	s17 =	simm.s32 $_scs_section_size  }
0x97: {  	s2 =	simm.s32 $_size__tile_overlayer_lowered;
	s3 =	simm.s32 $_tile_overlayer_lowered  }
0x98: {  	s20 =	simm.s32 $0x1BFF;
	s19 =	sshll.u32 s3, $0x1;
	s0 =	sadd.s32 s17, s16  }
0x99: {  	s4 =	simm.s32 $0x0;
	s18 =	sshll.u32 s2, $0x1;
	s2 =	sadd.s32 s19, s0  }
0x9a: {  	[timem:s4], [sflag:s20] =	dma.local [hbm:s2], s18  }
0x9b: {  	_ =	swait.ge [sflag:s20], s18  }
0x9c: {  	s1 =	ssub.s32 $0x0, s18;
	[sflag:s20] =	ssyncset.done $0x0  }
0x9d: {  	[sflag:s20] =	ssyncadd.s32 s1;
	_ =	sdelay $0x1  }
0x9e: {  	s21 =	simm.s32 $0x1B8B  }
0x9f: {  	_ =	swait.ge [sflag:s21], $0x1  }
0xa0: {  	[sflag:s21] =	ssyncset.done $0x0  }
0xa1: {  	s23 =	simm.s32 $0x1B8E;
	s22 =	sld [smem:$0x3FFE];
	[sflag:s21] =	ssyncadd.s32 $0xFFFFFFFF  }
0xa2: {  	s24 =	simm.s32 $execute0_lowered;
	[smem:$0x3FD2] =	sst s23  }
0xa3: {  	s2 =	sshll.u32 s24, $0x1;
	_ =	strace $0x80000046;
	[dreg:$0x1] =	wrdreg $0xFFFFFFFF  }
0xa4: {  	s25 =	simm.s32 $_size_execute0_lowered;
	s0 =	sadd.s32 s0, s2;
	[dreg:$0x0] =	wrdreg $0x0  }
0xa5: {  	s2 =	sshll.u32 s25, $0x1;
	[dreg:$0x2] =	wrdreg s0  }
0xa6: {  	[dreg:$0x3] =	wrdreg s2  }
0xa7: {  	[dreg:$0x4] =	wrdreg $0xC0  }
0xa8: {  	_ =	task [dreg:s4], $0x5FFFF  }
0xa9: {  	[dreg:$0x1] =	wrdreg $0xFFFFFFFF  }
0xaa: {  	[dreg:$0x0] =	wrdreg $0x60  }
0xab: {  	[dreg:$0x2] =	wrdreg s22  }
0xac: {  	[dreg:$0x3] =	wrdreg $0x9  }
0xad: {  	_ =	task.clear_ibuf [dreg:s4], $0x4FFFF;
	_ =	strace $0x90000046  }
0xae: {  	s26 =	simm.s32 $0x9;
	_ =	strace $0x80000048  }
0xaf: {  	_ =	swait.ge [sflag:s26], $0x1  }
0xb0: {  	[sflag:s26] =	ssyncadd.s32 $0xFFFFFFFF  }
0xb1: {  	_ =	strace $0x90000048  }
0xb2: {  	_ =	sfence  }
0xb3: {  	s28 =	sld [smem:$0x0];
	_ =	sdelay $0x1  }
0xb4: {  	s29 =	srdreg.scid  }
0xb5: {  	s30 =	sshll.u32 s29, $0xD;
	s31 =	sshrl.u32 s29, $0x2  }
0xb6: {  	s1 =	sand.u32 $0x1, s29;
	s2 =	sand.u32 $0x4000, s30;
	s0 =	sadd.s32 s31, s28  }
0xb7: {  	s1 =	sor.u32 s2, s1;
	s0 =	sshll.u32 s0, $0x11  }
0xb8: {  	s0 =	sor.u32 s0, s1  }
0xb9: {  	s0 =	sadd.s32 $0x8F2B, s0  }
0xba: {  	[sflag:s0] =	ssyncadd.remote.s32 $0x1  }
0xbb: {  	_ =	sfence.sel $0xFFFF  }
0xbc: {  	[dreg:$0x0] =	wrdreg $0xFFFFFFFF;
	(pc) =	sbr.abs _section_cstart, $3  }
0xbd: {  	[dreg:$0x1] =	wrdreg $0xFFFFFFFF  }
0xbe: {  	_ =	task.clear_ibuf [dreg:s4], $0x2FFFF;
	_ =	strace $0x9FFFFFFF  }
0xbf: {  	(tm) =	ssettm $0x7FFFFFFF  }
tec
execute0_lowered:
.L_overlay_start_1:
0x0: {  	(tag) =	ssettag $0x1  }
0x1: {  	s3 =	rddreg [dreg:$0x0]  }
0x2: {  	s1 =	stileid.u32;
	s0 =	rddreg [dreg:$0x1];
	s2 =	simm.s32 $0x0  }
0x3: {  	s4 =	sand.u32 $0x1, s1;
	[smem:$0x7FF] =	sst s2;
	p2 =	sgt.u32 s1, $0x1  }
0x4: {  	s5 =	sadd.s32 $0x3800, s3;
	s8 =	sadd.s32 $0x4600, s3;
	s9 =	sadd.s32 $0x7E800, s3  }
0x5: {  	_ =	strace $0x80000047;
	s6 =	simm.s32 @!p2 $0x0;
	s7 =	simm.s32 @!p2 $0xB200  }
0x6: {  	[tilespmem:s7], [sflag:$0x4] =	stream.linear.gather @!p2 [hbm4b:s5+s6], $0x800, $0x38;
	[tilespmem:$0xC200] =	vst v63  }
0x7: {  	p0 =	seq.s32 s4, $0x1;
	s4 =	simm.s32 $0x1C;
	s6 =	simm.s32 @!p2 $0x4  }
0x8: {  	p3 =	seq.s32 @!p2 s1, $0x0;
	s10 =	simm.s32 @!p2 $0x800;
	_ =	swait.ge @!p2 [sflag:s6], $0x800  }
0x9: {  	s4 =	simm.s32 @!p0 $0x0;
	p0 =	por !p3, p2;
	[sflag:s6] =	ssyncset.done @!p2 $0x0  }
0xa: {  	s22 =	sshll.u32 s4, $0x4;
	[sflag:s6] =	ssyncadd.s32 @!p2 $0xFFFFF800;
	s6 =	smov.u32 s8  }
0xb: {  	s11 =	simm.s32 @!p2 $0xBA00;
	s5 =	sadd.s32 s22, s3;
	s6 =	smov.u32 @p0 s9  }
0xc: {  	[tilespmem:s11], [sflag:$0x2] =	stream.indirect.gather @!p2 [hbm4b:s6+s10], $0x1, s7, s10, $0xb8;
	[tilespmem:$0xC200] =	vst v63  }
0xd: {  	s24 =	simm.s32 $0x1C00;
	s25 =	simm.s32 $0x4;
	s23 =	sadd.s32 $0x3E00, s5  }
0xe: {  	[tilespmem:s24], [sflag:$0x4] =	stream.linear.gather [hbm4b:s23+s2], $0xE00, $0x38;
	[tilespmem:$0xC200] =	vst v63  }
0xf: {  	_ =	swait.ge [sflag:s25], $0xE00  }
0x10: {  	s29 =	simm.s32 $0xE00;
	[sflag:s25] =	ssyncset.done $0x0  }
0x11: {  	s12 =	simm.s32 $0x3800;
	s26 =	sshrl.u32 s1, $0x1;
	[sflag:s25] =	ssyncadd.s32 $0xFFFFF200  }
0x12: {  	[tilespmem:s12], [sflag:$0x1] =	stream.indirect.gather [hbm4b:s8+s29], $0x1, s24, s29, $0xb8;
	[tilespmem:$0xC200] =	vst v63  }
0x13: {  	s31 =	simm.s32 $0x4600;
	s15 =	simm.s32 $0x80;
	s28 =	sshll.u32 s26, $0x4  }
0x14: {  	[tilespmem:s31], [sflag:$0x1] =	stream.indirect.gather [hbm4b:s9+s29], $0x1, s24, s29, $0xb8;
	[tilespmem:$0xC200] =	vst v63  }
0x15: {  	s30 =	sadd.s32 s28, s3;
	s4 =	sshll.u32 s4, $0x7;
	s12 =	sadd.s32 $0x4200, s5  }
0x16: {  	[tilespmem:s2], [sflag:$0x3] =	stream.linear.gather [hbm4b:s12+s2], $0xE00, $0x38;
	[tilespmem:$0xC200] =	vst v63  }
0x17: {  	s16 =	simm.s32 $0x400;
	s4 =	sadd.s32 s4, s30;
	s14 =	sadd.s32 $0x3A00, s5  }
0x18: {  	[tilespmem:s29], [sflag:$0x3] =	stream.linear.gather [hbm4b:s14+s2], $0xE00, $0x38;
	[tilespmem:$0xC200] =	vst v63  }
0x19: {  	s17 =	simm.s32 $0x2A00;
	s13 =	sshll.u32 s26, $0xA;
	s4 =	sadd.s32 $0xFAE00, s4  }
0x1a: {  	[tilespmem:s17], [sflag:$0x3] =	stream.strided.gather [hbm4b:s4+s15], $0xE00, s16, s15, $0x38;
	[tilespmem:$0xC200] =	vst v63  }
0x1b: {  	s19 =	simm.s32 $0x5400;
	s18 =	sadd.s32 s13, s3;
	s5 =	sadd.s32 $0xFAA00, s5  }
0x1c: {  	[tilespmem:s19], [sflag:$0x3] =	stream.linear.gather [hbm4b:s5+s2], $0xE00, $0x38;
	[tilespmem:$0xC200] =	vst v63  }
0x1d: {  	s21 =	simm.s32 $0x100;
	s20 =	sadd.s32 $0xF8A00, s18;
	s22 =	simm.s32 $0x6200  }
0x1e: {  	[tilespmem:s22], [sflag:$0x3] =	stream.strided.gather [hbm4b:s20+s15], $0x800, s21, s15, $0x38;
	[tilespmem:$0xC200] =	vst v63  }
0x1f: {  	s23 =	sadd.s32 $0xF8A10, s18;
	s24 =	simm.s32 $0x6A00  }
0x20: {  	[tilespmem:s24], [sflag:$0x3] =	stream.strided.gather [hbm4b:s23+s15], $0x800, s21, s15, $0x38;
	[tilespmem:$0xC200] =	vst v63  }
0x21: {  	s26 =	simm.s32 $0x7200;
	s25 =	sadd.s32 $0xF8C00, s18  }
0x22: {  	[tilespmem:s26], [sflag:$0x3] =	stream.strided.gather [hbm4b:s25+s15], $0x800, s21, s15, $0x38;
	[tilespmem:$0xC200] =	vst v63  }
0x23: {  	s13 =	simm.s32 $0x8240;
	s28 =	sadd.s32 $0xF8C10, s18;
	s29 =	simm.s32 $0x7A00  }
0x24: {  	v0 =	vimm.f32 $0.0e+00;
	[tilespmem:s29], [sflag:$0x3] =	stream.strided.gather [hbm4b:s28+s15], $0x800, s21, s15, $0x38;
	[tilespmem:$0xC200] =	vst v63  }
0x25: {  	[tilespmem:s13+$0x10] =	vst v0  }
0x26: {  	[tilespmem:s13+$0xFFFFFFD0] =	vst v0  }
0x27: {  	[tilespmem:s13+$0xFFFFFFF0] =	vst v0  }
0x28: {  	[tilespmem:s13+$0x0] =	vst v0  }
0x29: {  	[tilespmem:s13+$0x20] =	vst v0  }
0x2a: {  	[tilespmem:s13+$0x30] =	vst v0  }
0x2b: {  	[tilespmem:s13+$0xFFFFFFE0] =	vst v0  }
0x2c: {  	s15 =	simm.s32 $0x8A40;
	[tilespmem:s13+$0xFFFFFFC0] =	vst v0  }
0x2d: {  	[tilespmem:s15+$0xFFFFFFC0] =	vst v0  }
0x2e: {  	[tilespmem:s15+$0xFFFFFFE0] =	vst v0  }
0x2f: {  	[tilespmem:s15+$0x30] =	vst v0  }
0x30: {  	[tilespmem:s15+$0x20] =	vst v0  }
0x31: {  	[tilespmem:s15+$0x0] =	vst v0  }
0x32: {  	[tilespmem:s15+$0x10] =	vst v0  }
0x33: {  	[tilespmem:s15+$0xFFFFFFD0] =	vst v0  }
0x34: {  	s14 =	simm.s32 $0x9240;
	[tilespmem:s15+$0xFFFFFFF0] =	vst v0  }
0x35: {  	[tilespmem:s14+$0xFFFFFFC0] =	vst v0  }
0x36: {  	[tilespmem:s14+$0xFFFFFFE0] =	vst v0  }
0x37: {  	[tilespmem:s14+$0x20] =	vst v0  }
0x38: {  	p1 =	por $0x0, $0x0;
	s11 =	simm.s32 $0x9A40;
	[tilespmem:s14+$0x30] =	vst v0  }
0x39: {  	p4 =	sne.s32 @!p2 s1, $0x0;
	p1 =	por @!p2 p3, p3;
	p0 =	por $0x0, $0x0;
	[tilespmem:s11+$0xFFFFFFC0] =	vst v0  }
0x3a: {  	s30 =	sshll.u32 s1, $0xB;
	s10 =	simm.s32 $0xAA40;
	p0 =	por @!p2 p4, p4;
	[tilespmem:s11+$0xFFFFFFE0] =	vst v0  }
0x3b: {  	s18 =	simm.s32 $0x92C0;
	s31 =	sadd.s32 s30, s3;
	s12 =	simm.s32 $0xA240;
	[tilespmem:s11+$0x30] =	vst v0  }
0x3c: {  	s9 =	sadd.s32 $0xFCA00, s31;
	s7 =	sadd.s32 $0xFCA10, s31;
	s8 =	sadd.s32 $0xFCA20, s31;
	[tilespmem:s12+$0xFFFFFFC0] =	vst v0  }
0x3d: {  	s6 =	sadd.s32 $0xFCA30, s31;
	s4 =	sadd.s32 $0xFCA40, s31;
	s16 =	simm.s32 $0x0;
	[tilespmem:s12+$0xFFFFFFE0] =	vst v0  }
0x3e: {  	s17 =	simm.s32 $0xAAC0;
	s2 =	sadd.s32 $0x104A00, s3;
	s5 =	sadd.s32 $0xFCA50, s31;
	[tilespmem:s10+$0xFFFFFFC0] =	vst v0  }
0x3f: {  	s3 =	sadd.s32 $0x104A10, s3;
	s19 =	simm.s32 $0x9AC0;
	s20 =	simm.s32 $0xA2C0;
	[tilespmem:s10+$0xFFFFFFE0] =	vst v0  }
.LBB2_1:
0x40: {  	s16 =	sadd.s32 $0x8, s16;
	[tilespmem:s14+$0x10] =	vst v0;
	s13 =	sadd.s32 $0x80, s13;
	s15 =	sadd.s32 $0x80, s15  }
0x41: {  	p2 =	slt.u32 s16, $0x78;
	[tilespmem:s14+$0xFFFFFFF0] =	vst v0  }
0x42: {  	[tilespmem:s14+$0xFFFFFFD0] =	vst v0  }
0x43: {  	[tilespmem:s11+$0xFFFFFFF0] =	vst v0  }
0x44: {  	[tilespmem:s14+$0x0] =	vst v0;
	s14 =	smov.u32 s18  }
0x45: {  	[tilespmem:s11+$0x0] =	vst v0  }
0x46: {  	[tilespmem:s11+$0x10] =	vst v0  }
0x47: {  	[tilespmem:s12+$0x30] =	vst v0  }
0x48: {  	[tilespmem:s10+$0x30] =	vst v0  }
0x49: {  	[tilespmem:s11+$0x20] =	vst v0  }
0x4a: {  	[tilespmem:s12+$0x10] =	vst v0  }
0x4b: {  	[tilespmem:s10+$0x10] =	vst v0  }
0x4c: {  	[tilespmem:s12+$0xFFFFFFF0] =	vst v0  }
0x4d: {  	[tilespmem:s12+$0x20] =	vst v0  }
0x4e: {  	[tilespmem:s12+$0x0] =	vst v0  }
0x4f: {  	[tilespmem:s11+$0xFFFFFFD0] =	vst v0;
	s11 =	smov.u32 s19  }
0x50: {  	[tilespmem:s12+$0xFFFFFFD0] =	vst v0;
	s12 =	smov.u32 s20  }
0x51: {  	[tilespmem:s10+$0xFFFFFFD0] =	vst v0  }
0x52: {  	[tilespmem:s10+$0xFFFFFFF0] =	vst v0  }
0x53: {  	[tilespmem:s10+$0x20] =	vst v0  }
0x54: {  	[tilespmem:s10+$0x0] =	vst v0;
	s10 =	smov.u32 s17  }
0x55: {  	[tilespmem:s13+$0x10] =	vst v0  }
0x56: {  	[tilespmem:s13+$0xFFFFFFD0] =	vst v0  }
0x57: {  	[tilespmem:s13+$0xFFFFFFF0] =	vst v0  }
0x58: {  	[tilespmem:s13+$0x0] =	vst v0  }
0x59: {  	[tilespmem:s13+$0x20] =	vst v0  }
0x5a: {  	[tilespmem:s13+$0x30] =	vst v0  }
0x5b: {  	[tilespmem:s13+$0xFFFFFFE0] =	vst v0  }
0x5c: {  	[tilespmem:s13+$0xFFFFFFC0] =	vst v0  }
0x5d: {  	[tilespmem:s15+$0xFFFFFFC0] =	vst v0  }
0x5e: {  	[tilespmem:s18+$0xFFFFFFC0] =	vst v0  }
0x5f: {  	[tilespmem:s19+$0xFFFFFFC0] =	vst v0  }
0x60: {  	[tilespmem:s20+$0xFFFFFFC0] =	vst v0  }
0x61: {  	[tilespmem:s17+$0xFFFFFFC0] =	vst v0  }
0x62: {  	[tilespmem:s15+$0xFFFFFFE0] =	vst v0  }
0x63: {  	[tilespmem:s18+$0xFFFFFFE0] =	vst v0  }
0x64: {  	[tilespmem:s19+$0xFFFFFFE0] =	vst v0  }
0x65: {  	[tilespmem:s20+$0xFFFFFFE0] =	vst v0  }
0x66: {  	[tilespmem:s17+$0xFFFFFFE0] =	vst v0  }
0x67: {  	[tilespmem:s15+$0x30] =	vst v0  }
0x68: {  	[tilespmem:s15+$0x20] =	vst v0  }
0x69: {  	[tilespmem:s18+$0x20] =	vst v0  }
0x6a: {  	[tilespmem:s15+$0x0] =	vst v0  }
.Ltmp0:
0x6b: {  	[tilespmem:s18+$0x30] =	vst v0;
	(pc) =	sbr.rel @p2 .LBB2_1-.Ltmp0, $4  }
0x6c: {  	[tilespmem:s19+$0x30] =	vst v0  }
0x6d: {  	[tilespmem:s15+$0x10] =	vst v0  }
0x6e: {  	s17 =	sadd.s32 $0x80, s17;
	[tilespmem:s15+$0xFFFFFFD0] =	vst v0  }
0x6f: {  	s20 =	sadd.s32 $0x80, s20;
	s18 =	sadd.s32 $0x80, s18;
	s19 =	sadd.s32 $0x80, s19;
	[tilespmem:s15+$0xFFFFFFF0] =	vst v0  }
0x70: {  	[tilespmem:s14+$0x10] =	vst v0  }
0x71: {  	[tilespmem:s14+$0xFFFFFFF0] =	vst v0  }
0x72: {  	[tilespmem:s14+$0xFFFFFFD0] =	vst v0  }
0x73: {  	[tilespmem:s14+$0x0] =	vst v0  }
0x74: {  	[tilespmem:s12+$0x30] =	vst v0  }
0x75: {  	[tilespmem:s11+$0x20] =	vst v0  }
0x76: {  	[tilespmem:s11+$0xFFFFFFF0] =	vst v0  }
0x77: {  	[tilespmem:s11+$0x0] =	vst v0  }
0x78: {  	[tilespmem:s11+$0x10] =	vst v0  }
0x79: {  	[tilespmem:s10+$0x30] =	vst v0  }
0x7a: {  	[tilespmem:s12+$0x20] =	vst v0  }
0x7b: {  	[tilespmem:s11+$0xFFFFFFD0] =	vst v0  }
0x7c: {  	[tilespmem:s12+$0x10] =	vst v0  }
0x7d: {  	[tilespmem:s12+$0xFFFFFFF0] =	vst v0  }
0x7e: {  	[tilespmem:s12+$0x0] =	vst v0  }
0x7f: {  	[tilespmem:s12+$0xFFFFFFD0] =	vst v0  }
0x80: {  	[tilespmem:s10+$0x20] =	vst v0  }
0x81: {  	[tilespmem:s10+$0x10] =	vst v0  }
0x82: {  	[tilespmem:s10+$0xFFFFFFD0] =	vst v0  }
0x83: {  	[tilespmem:s10+$0xFFFFFFF0] =	vst v0  }
0x84: {  	s30 =	simm.s32 $0x3;
	[tilespmem:s10+$0x0] =	vst v0  }
0x85: {  	_ =	swait.ge [sflag:s30], $0xE00  }
0x86: {  	[sflag:s30] =	ssyncset.done $0x0  }
0x87: {  	[sflag:s30] =	ssyncadd.s32 $0xFFFFF200  }
0x88: {  	_ =	swait.ge [sflag:s30], $0xE00  }
0x89: {  	[sflag:s30] =	ssyncset.done $0x0  }
0x8a: {  	[sflag:s30] =	ssyncadd.s32 $0xFFFFF200  }
0x8b: {  	_ =	swait.ge [sflag:s30], $0xE00  }
0x8c: {  	[sflag:s30] =	ssyncset.done $0x0  }
0x8d: {  	[sflag:s30] =	ssyncadd.s32 $0xFFFFF200  }
0x8e: {  	_ =	swait.ge [sflag:s30], $0xE00  }
0x8f: {  	[sflag:s30] =	ssyncset.done $0x0  }
0x90: {  	[sflag:s30] =	ssyncadd.s32 $0xFFFFF200  }
0x91: {  	_ =	swait.ge [sflag:s30], $0x800  }
0x92: {  	[sflag:s30] =	ssyncset.done $0x0  }
0x93: {  	[sflag:s30] =	ssyncadd.s32 $0xFFFFF800  }
0x94: {  	_ =	swait.ge [sflag:s30], $0x800  }
0x95: {  	[sflag:s30] =	ssyncset.done $0x0  }
0x96: {  	[sflag:s30] =	ssyncadd.s32 $0xFFFFF800  }
0x97: {  	_ =	swait.ge [sflag:s30], $0x800  }
0x98: {  	[sflag:s30] =	ssyncset.done $0x0  }
0x99: {  	[sflag:s30] =	ssyncadd.s32 $0xFFFFF800  }
0x9a: {  	s31 =	simm.s32 $0x1;
	s13 =	simm.s32 $0x4640;
	_ =	swait.ge [sflag:s30], $0x800  }
0x9b: {  	s14 =	simm.s32 $0x40;
	s15 =	simm.s32 $0xE40;
	[sflag:s30] =	ssyncset.done $0x0  }
0x9c: {  	s16 =	simm.s32 $0x5440;
	s17 =	simm.s32 $0x8200;
	[sflag:s30] =	ssyncadd.s32 $0xFFFFF800  }
0x9d: {  	s18 =	simm.s32 $0x8A00;
	s19 =	simm.s32 $0x6200;
	_ =	swait.ge [sflag:s31], $0xE00  }
0x9e: {  	s20 =	simm.s32 $0x6A00;
	s21 =	simm.s32 $0x7200;
	[sflag:s31] =	ssyncset.done $0x0  }
0x9f: {  	s22 =	simm.s32 $0x7A00;
	s23 =	simm.s32 $0x9200;
	[sflag:s31] =	ssyncadd.s32 $0xFFFFF200  }
0xa0: {  	s24 =	simm.s32 $0x9A00;
	s25 =	simm.s32 $0xA200;
	_ =	swait.ge [sflag:s31], $0xE00  }
0xa1: {  	s26 =	simm.s32 $0xAA00;
	s11 =	simm.s32 $0x2A40;
	[sflag:s31] =	ssyncset.done $0x0  }
0xa2: {  	s12 =	simm.s32 $0x3840;
	s10 =	simm.s32 $0xFFFFFFF8;
	[sflag:s31] =	ssyncadd.s32 $0xFFFFF200  }
.LBB2_3:
0xa3: {  	v0 =	vld [tilespmem:s14+$0xFFFFFFC0]  }
0xa4: {  	v1 =	vld [tilespmem:s11+$0xFFFFFFC0]  }
0xa5: {  	v2 =	vld [tilespmem:s12+$0xFFFFFFC0]  }
0xa6: {  	v20 =	vld [tilespmem:s13+$0xFFFFFFC0]  }
0xa7: {  	v3 =	vld [tilespmem:s15+$0xFFFFFFC0]  }
0xa8: {  	v21 =	vld [tilespmem:s14+$0xFFFFFFD0]  }
0xa9: {  	v5 =	vld [tilespmem:s11+$0xFFFFFFD0]  }
0xaa: {  	v6 =	vld [tilespmem:s12+$0xFFFFFFD0]  }
0xab: {  	v22 =	vld [tilespmem:s13+$0xFFFFFFD0]  }
0xac: {  	v23 =	vld [tilespmem:s15+$0xFFFFFFD0]  }
0xad: {  	v26 =	vld [tilespmem:s11+$0xFFFFFFE0]  }
0xae: {  	v14 =	vld [tilespmem:s12+$0xFFFFFFE0];
	vm0 =	veq.s32 v1, $0x0  }
0xaf: {  	v28 =	vld [tilespmem:s13+$0xFFFFFFE0];
	v4 =	vnsel vm0, $0x0, v2  }
0xb0: {  	[tilespmem:v0+s17+$0x0] =	vst.idx.add.f32.msk $0xffff, v4  }
0xb1: {  	v4 =	vld [tilespmem:s16+$0xFFFFFFC0]  }
0xb2: {  	v18 =	vld [tilespmem:s15+$0xFFFFFFE0]  }
0xb3: {  	v42 =	vld [tilespmem:s11+$0xFFFFFFF0]  }
0xb4: {  	v43 =	vld [tilespmem:s12+$0xFFFFFFF0]  }
0xb5: {  	v48 =	vld [tilespmem:s13+$0xFFFFFFF0]  }
0xb6: {  	v49 =	vld [tilespmem:s15+$0xFFFFFFF0];
	v4 =	vsub.f32 v20, v4  }
0xb7: {  	v59 =	vld [tilespmem:s11+$0x0]  }
0xb8: {  	v60 =	vld [tilespmem:s12+$0x0];
	v4 =	vnsel vm0, $0x0, v4  }
0xb9: {  	[tilespmem:v0+s18+$0x0] =	vst.idx.add.f32.msk $0xffff, v4  }
0xba: {  	v7 =	vld.idx.msk [tilespmem:v3+s19+$0x0], $0xffff  }
0xbb: {  	vm1 =	veq.s32 v5, $0x0;
	v8 =	vld.idx.msk [tilespmem:v3+s20+$0x0], $0xffff  }
0xbc: {  	v9 =	vand.u32 $0x7FFFFFFF, v2;
	vm7 =	veq.s32 v59, $0x0;
	v59 =	vld [tilespmem:s12+$0x20];
	v10 =	vnsel vm1, $0x0, v6  }
0xbd: {  	vm2 =	vge.f32 v9, $1.000000050e-03;
	[tilespmem:v21+s17+$0x0] =	vst.idx.add.f32.msk $0xffff, v10  }
0xbe: {  	v47 =	vand.u32 $0x7FFFFFFF, v14;
	v12 =	vld [tilespmem:s16+$0xFFFFFFD0];
	vm0 =	vmand vm0, vm2  }
0xbf: {  	vm5 =	vge.f32 v47, $1.000000050e-03;
	v47 =	vld [tilespmem:s13+$0x10];
	v2 =	vnsel vm0, $0x0, v2;
	v1 =	vnsel vm0, $0x0, v20  }
0xc0: {  	v13 =	vld.idx.msk [tilespmem:v3+s21+$0x0], $0xffff;
	v24 =	vmul.f32 v7, v2;
	v11 =	vmul.f32 v8, v1  }
0xc1: {  	v3 =	vld.idx.msk [tilespmem:v3+s22+$0x0], $0xffff;
	v8 =	vmul.f32 v8, v2;
	v7 =	vmul.f32 v7, v1  }
0xc2: {  	v10 =	vsub.f32 v24, v11;
	v11 =	vld [tilespmem:s14+$0xFFFFFFE0]  }
0xc3: {  	v25 =	vsub.f32 v22, v12;
	v7 =	vadd.f32 v8, v7;
	v8 =	vld [tilespmem:s14+$0x10]  }
0xc4: {  	[tilespmem:v0+s23+$0x0] =	vst.idx.add.f32.msk $0xffff, v10  }
0xc5: {  	v10 =	vnsel vm1, $0x0, v25;
	v25 =	vld [tilespmem:s15+$0x0]  }
0xc6: {  	[tilespmem:v21+s18+$0x0] =	vst.idx.add.f32.msk $0xffff, v10  }
0xc7: {  	v17 =	vand.u32 $0x7FFFFFFF, v6;
	v10 =	vld.idx.msk [tilespmem:v23+s19+$0x0], $0xffff  }
0xc8: {  	vm4 =	vge.f32 v17, $1.000000050e-03;
	v15 =	vld.idx.msk [tilespmem:v23+s20+$0x0], $0xffff  }
0xc9: {  	vm15 =	veq.s32 v26, $0x0;
	vm1 =	vmand vm1, vm4;
	[tilespmem:v0+s24+$0x0] =	vst.idx.add.f32.msk $0xffff, v7  }
0xca: {  	v27 =	vmul.f32 v13, v2;
	v16 =	vmul.f32 v3, v1;
	v5 =	vnsel vm1, $0x0, v22;
	v22 =	vld [tilespmem:s13+$0x0]  }
0xcb: {  	v19 =	vnsel vm15, $0x0, v14;
	v2 =	vmul.f32 v3, v2;
	v36 =	vld.idx.msk [tilespmem:v23+s21+$0x0], $0xffff  }
0xcc: {  	v1 =	vmul.f32 v13, v1;
	v29 =	vsub.f32 v27, v16;
	v31 =	vnsel vm1, $0x0, v6;
	v37 =	vld.idx.msk [tilespmem:v23+s22+$0x0], $0xffff  }
0xcd: {  	[tilespmem:v11+s17+$0x0] =	vst.idx.add.f32.msk $0xffff, v19;
	v32 =	vmul.f32 v10, v31;
	v33 =	vmul.f32 v15, v5  }
0xce: {  	v1 =	vadd.f32 v2, v1;
	v30 =	vld [tilespmem:s16+$0xFFFFFFE0];
	v34 =	vmul.f32 v15, v31;
	v35 =	vmul.f32 v10, v5  }
0xcf: {  	[tilespmem:v0+s25+$0x0] =	vst.idx.add.f32.msk $0xffff, v29;
	v3 =	vsub.f32 v32, v33  }
0xd0: {  	[tilespmem:v0+s26+$0x0] =	vst.idx.add.f32.msk $0xffff, v1;
	v0 =	vadd.f32 v34, v35  }
0xd1: {  	[tilespmem:v21+s23+$0x0] =	vst.idx.add.f32.msk $0xffff, v3  }
0xd2: {  	v40 =	vmul.f32 v36, v31;
	v41 =	vmul.f32 v37, v5;
	[tilespmem:v21+s24+$0x0] =	vst.idx.add.f32.msk $0xffff, v0  }
0xd3: {  	v38 =	vsub.f32 v28, v30;
	v0 =	vld [tilespmem:s14+$0xFFFFFFF0]  }
0xd4: {  	v1 =	vsub.f32 v40, v41;
	v40 =	vld [tilespmem:s11+$0x10]  }
0xd5: {  	v41 =	vld [tilespmem:s12+$0x10];
	v39 =	vnsel vm15, $0x0, v38  }
0xd6: {  	[tilespmem:v11+s18+$0x0] =	vst.idx.add.f32.msk $0xffff, v39  }
0xd7: {  	v44 =	vld.idx.msk [tilespmem:v18+s19+$0x0], $0xffff  }
0xd8: {  	v45 =	vld.idx.msk [tilespmem:v18+s20+$0x0], $0xffff  }
0xd9: {  	vm6 =	veq.s32 v42, $0x0;
	v46 =	vmul.f32 v37, v31;
	v5 =	vmul.f32 v36, v5;
	[tilespmem:v21+s25+$0x0] =	vst.idx.add.f32.msk $0xffff, v1  }
0xda: {  	v50 =	vnsel vm6, $0x0, v43;
	v57 =	vld.idx.msk [tilespmem:v18+s22+$0x0], $0xffff  }
0xdb: {  	vm0 =	vmand vm15, vm5;
	v1 =	vadd.f32 v46, v5;
	[tilespmem:v0+s17+$0x0] =	vst.idx.add.f32.msk $0xffff, v50  }
0xdc: {  	v51 =	vnsel vm0, $0x0, v14;
	v52 =	vnsel vm0, $0x0, v28;
	v54 =	vld [tilespmem:s16+$0xFFFFFFF0]  }
0xdd: {  	[tilespmem:v21+s26+$0x0] =	vst.idx.add.f32.msk $0xffff, v1;
	v53 =	vmul.f32 v44, v51;
	v12 =	vmul.f32 v45, v52  }
0xde: {  	v55 =	vld.idx.msk [tilespmem:v18+s21+$0x0], $0xffff;
	v61 =	vmul.f32 v45, v51;
	v3 =	vmul.f32 v44, v52  }
0xdf: {  	v23 =	vmul.f32 v57, v52;
	v5 =	vmul.f32 v57, v51;
	v57 =	vld [tilespmem:s14+$0x20];
	v56 =	vsub.f32 v53, v12  }
0xe0: {  	v12 =	vld [tilespmem:s14+$0x0];
	v3 =	vadd.f32 v61, v3  }
0xe1: {  	[tilespmem:v11+s23+$0x0] =	vst.idx.add.f32.msk $0xffff, v56;
	v58 =	vsub.f32 v48, v54  }
0xe2: {  	[tilespmem:v11+s24+$0x0] =	vst.idx.add.f32.msk $0xffff, v3  }
0xe3: {  	v4 =	vnsel vm6, $0x0, v58;
	v58 =	vld [tilespmem:s11+$0x20]  }
0xe4: {  	[tilespmem:v0+s18+$0x0] =	vst.idx.add.f32.msk $0xffff, v4  }
0xe5: {  	v62 =	vld.idx.msk [tilespmem:v49+s19+$0x0], $0xffff  }
0xe6: {  	v63 =	vld.idx.msk [tilespmem:v49+s20+$0x0], $0xffff  }
0xe7: {  	v33 =	vld.idx.msk [tilespmem:v49+s21+$0x0], $0xffff  }
0xe8: {  	vm10 =	veq.s32 v40, $0x0;
	v21 =	vmul.f32 v55, v51;
	v34 =	vld.idx.msk [tilespmem:v49+s22+$0x0], $0xffff  }
0xe9: {  	v50 =	vnsel vm10, $0x0, v41;
	v49 =	vld [tilespmem:s15+$0x10]  }
0xea: {  	v26 =	vnsel vm7, $0x0, v60;
	v4 =	vsub.f32 v21, v23;
	[tilespmem:v8+s17+$0x0] =	vst.idx.add.f32.msk $0xffff, v50  }
0xeb: {  	v1 =	vmul.f32 v55, v52;
	[tilespmem:v12+s17+$0x0] =	vst.idx.add.f32.msk $0xffff, v26  }
0xec: {  	v24 =	vand.u32 $0x7FFFFFFF, v43;
	[tilespmem:v11+s25+$0x0] =	vst.idx.add.f32.msk $0xffff, v4  }
0xed: {  	vm8 =	vge.f32 v24, $1.000000050e-03;
	v1 =	vadd.f32 v5, v1;
	v53 =	vld [tilespmem:s16+$0x10]  }
0xee: {  	vm1 =	vmand vm6, vm8;
	v27 =	vld [tilespmem:s16+$0x0]  }
0xef: {  	v2 =	vnsel vm1, $0x0, v48;
	v28 =	vnsel vm1, $0x0, v43;
	[tilespmem:v11+s26+$0x0] =	vst.idx.add.f32.msk $0xffff, v1  }
0xf0: {  	vm11 =	veq.s32 v58, $0x0;
	v29 =	vmul.f32 v62, v28;
	v32 =	vmul.f32 v62, v2;
	v62 =	vld [tilespmem:s13+$0x20]  }
0xf1: {  	v19 =	vnsel vm11, $0x0, v59;
	v30 =	vmul.f32 v63, v2;
	v31 =	vmul.f32 v63, v28;
	v63 =	vld [tilespmem:s15+$0x20]  }
0xf2: {  	[tilespmem:v57+s17+$0x0] =	vst.idx.add.f32.msk $0xffff, v19  }
0xf3: {  	v38 =	vmul.f32 v33, v28;
	v3 =	vmul.f32 v34, v28;
	v28 =	vld [tilespmem:s11+$0x30]  }
0xf4: {  	v21 =	vld [tilespmem:s16+$0x20]  }
0xf5: {  	v35 =	vsub.f32 v22, v27;
	v27 =	vld [tilespmem:s14+$0x30]  }
0xf6: {  	v4 =	vsub.f32 v29, v30;
	v29 =	vld [tilespmem:s12+$0x30]  }
0xf7: {  	v30 =	vld [tilespmem:s13+$0x30]  }
0xf8: {  	v1 =	vadd.f32 v31, v32;
	v31 =	vld [tilespmem:s15+$0x30]  }
0xf9: {  	[tilespmem:v0+s23+$0x0] =	vst.idx.add.f32.msk $0xffff, v4  }
0xfa: {  	v36 =	vnsel vm7, $0x0, v35;
	[tilespmem:v0+s24+$0x0] =	vst.idx.add.f32.msk $0xffff, v1  }
0xfb: {  	[tilespmem:v12+s18+$0x0] =	vst.idx.add.f32.msk $0xffff, v36  }
0xfc: {  	v39 =	vmul.f32 v34, v2;
	v1 =	vld.idx.msk [tilespmem:v25+s19+$0x0], $0xffff  }
0xfd: {  	v2 =	vmul.f32 v33, v2;
	v37 =	vld.idx.msk [tilespmem:v25+s20+$0x0], $0xffff  }
0xfe: {  	v6 =	vsub.f32 v38, v39;
	v43 =	vld.idx.msk [tilespmem:v25+s21+$0x0], $0xffff  }
0xff: {  	v56 =	vsub.f32 v47, v53;
	v2 =	vadd.f32 v3, v2;
	v44 =	vld.idx.msk [tilespmem:v25+s22+$0x0], $0xffff  }
0x100: {  	[tilespmem:v0+s25+$0x0] =	vst.idx.add.f32.msk $0xffff, v6  }
0x101: {  	v42 =	vand.u32 $0x7FFFFFFF, v60;
	[tilespmem:v0+s26+$0x0] =	vst.idx.add.f32.msk $0xffff, v2;
	v0 =	vnsel vm10, $0x0, v56  }
0x102: {  	vm9 =	vge.f32 v42, $1.000000050e-03;
	[tilespmem:v8+s18+$0x0] =	vst.idx.add.f32.msk $0xffff, v0  }
0x103: {  	vm0 =	vmand vm7, vm9;
	v0 =	vld.idx.msk [tilespmem:v49+s19+$0x0], $0xffff  }
0x104: {  	v45 =	vnsel vm0, $0x0, v60;
	v5 =	vsub.f32 v62, v21;
	v60 =	vld.idx.msk [tilespmem:v49+s20+$0x0], $0xffff  }
0x105: {  	v24 =	vld.idx.msk [tilespmem:v49+s21+$0x0], $0xffff  }
0x106: {  	vm13 =	veq.s32 v28, $0x0;
	v5 =	vnsel vm11, $0x0, v5;
	v14 =	vld.idx.msk [tilespmem:v49+s22+$0x0], $0xffff  }
0x107: {  	v46 =	vnsel vm0, $0x0, v22;
	v15 =	vnsel vm13, $0x0, v29;
	[tilespmem:v57+s18+$0x0] =	vst.idx.add.f32.msk $0xffff, v5  }
0x108: {  	v20 =	vand.u32 $0x7FFFFFFF, v41;
	[tilespmem:v27+s17+$0x0] =	vst.idx.add.f32.msk $0xffff, v15;
	v48 =	vmul.f32 v1, v45;
	v13 =	vmul.f32 v37, v46  }
0x109: {  	vm12 =	vge.f32 v20, $1.000000050e-03;
	v35 =	vld.idx.msk [tilespmem:v63+s19+$0x0], $0xffff;
	v4 =	vmul.f32 v37, v45;
	v1 =	vmul.f32 v1, v46  }
0x10a: {  	vm0 =	vmand vm10, vm12;
	v36 =	vld.idx.msk [tilespmem:v63+s20+$0x0], $0xffff;
	v51 =	vmul.f32 v43, v45;
	v52 =	vmul.f32 v44, v46  }
0x10b: {  	v23 =	vnsel vm0, $0x0, v47;
	v40 =	vld.idx.msk [tilespmem:v63+s21+$0x0], $0xffff;
	v3 =	vmul.f32 v44, v45;
	v61 =	vmul.f32 v43, v46  }
0x10c: {  	v22 =	vnsel vm0, $0x0, v41;
	v34 =	vld [tilespmem:s16+$0x30];
	v11 =	vsub.f32 v48, v13;
	v54 =	vadd.f32 v4, v1  }
0x10d: {  	v6 =	vld.idx.msk [tilespmem:v63+s22+$0x0], $0xffff;
	v55 =	vsub.f32 v51, v52;
	v3 =	vadd.f32 v3, v61;
	v25 =	vmul.f32 v0, v22  }
0x10e: {  	v26 =	vmul.f32 v60, v23;
	v0 =	vmul.f32 v0, v23;
	[tilespmem:v12+s23+$0x0] =	vst.idx.add.f32.msk $0xffff, v11  }
0x10f: {  	v32 =	vmul.f32 v24, v22;
	v11 =	vmul.f32 v60, v22;
	[tilespmem:v12+s24+$0x0] =	vst.idx.add.f32.msk $0xffff, v54  }
0x110: {  	v33 =	vmul.f32 v14, v23;
	v10 =	vsub.f32 v25, v26;
	[tilespmem:v12+s25+$0x0] =	vst.idx.add.f32.msk $0xffff, v55  }
0x111: {  	v41 =	vsub.f32 v30, v34;
	v0 =	vadd.f32 v11, v0;
	[tilespmem:v12+s26+$0x0] =	vst.idx.add.f32.msk $0xffff, v3  }
0x112: {  	v39 =	vand.u32 $0x7FFFFFFF, v59;
	[tilespmem:v8+s23+$0x0] =	vst.idx.add.f32.msk $0xffff, v10  }
0x113: {  	vm14 =	vge.f32 v39, $1.000000050e-03;
	v15 =	vsub.f32 v32, v33;
	v7 =	vnsel vm13, $0x0, v41;
	[tilespmem:v8+s24+$0x0] =	vst.idx.add.f32.msk $0xffff, v0  }
0x114: {  	vm1 =	vmand vm11, vm14;
	[tilespmem:v27+s18+$0x0] =	vst.idx.add.f32.msk $0xffff, v7  }
0x115: {  	v4 =	vnsel vm1, $0x0, v59;
	v37 =	vmul.f32 v14, v22;
	v38 =	vmul.f32 v24, v23;
	[tilespmem:v8+s25+$0x0] =	vst.idx.add.f32.msk $0xffff, v15  }
0x116: {  	v2 =	vnsel vm1, $0x0, v62;
	v42 =	vmul.f32 v35, v4;
	v7 =	vld.idx.msk [tilespmem:v31+s19+$0x0], $0xffff  }
0x117: {  	v43 =	vmul.f32 v36, v2;
	v44 =	vmul.f32 v36, v4;
	v0 =	vadd.f32 v37, v38;
	v46 =	vld.idx.msk [tilespmem:v31+s20+$0x0], $0xffff  }
0x118: {  	v49 =	vand.u32 $0x7FFFFFFF, v29;
	v47 =	vmul.f32 v40, v4;
	v11 =	vmul.f32 v35, v2;
	v50 =	vld.idx.msk [tilespmem:v31+s21+$0x0], $0xffff  }
0x119: {  	vm15 =	vge.f32 v49, $1.000000050e-03;
	v48 =	vmul.f32 v6, v2;
	[tilespmem:v8+s26+$0x0] =	vst.idx.add.f32.msk $0xffff, v0;
	v0 =	vsub.f32 v42, v43  }
0x11a: {  	v4 =	vmul.f32 v6, v4;
	v2 =	vmul.f32 v40, v2;
	v45 =	vadd.f32 v44, v11;
	v51 =	vld.idx.msk [tilespmem:v31+s22+$0x0], $0xffff  }
0x11b: {  	vm0 =	vmand vm13, vm15;
	v52 =	vsub.f32 v47, v48;
	[tilespmem:v57+s23+$0x0] =	vst.idx.add.f32.msk $0xffff, v0  }
0x11c: {  	v53 =	vnsel vm0, $0x0, v29;
	v5 =	vnsel vm0, $0x0, v30;
	v2 =	vadd.f32 v4, v2;
	[tilespmem:v57+s24+$0x0] =	vst.idx.add.f32.msk $0xffff, v45  }
0x11d: {  	[tilespmem:v57+s25+$0x0] =	vst.idx.add.f32.msk $0xffff, v52;
	v54 =	vmul.f32 v7, v53;
	v55 =	vmul.f32 v46, v5  }
0x11e: {  	s10 =	sadd.s32 $0x8, s10;
	v56 =	vmul.f32 v46, v53;
	[tilespmem:v57+s26+$0x0] =	vst.idx.add.f32.msk $0xffff, v2;
	v57 =	vmul.f32 v7, v5  }
0x11f: {  	p2 =	slt.u32 s10, $0xD8;
	v58 =	vmul.f32 v50, v53;
	v59 =	vmul.f32 v51, v5;
	v0 =	vsub.f32 v54, v55  }
.Ltmp1:
0x120: {  	v60 =	vmul.f32 v51, v53;
	v61 =	vmul.f32 v50, v5;
	v1 =	vadd.f32 v56, v57;
	(pc) =	sbr.rel @p2 .LBB2_3-.Ltmp1, $4  }
0x121: {  	v62 =	vsub.f32 v58, v59;
	[tilespmem:v27+s23+$0x0] =	vst.idx.add.f32.msk $0xffff, v0  }
0x122: {  	v63 =	vadd.f32 v60, v61;
	[tilespmem:v27+s24+$0x0] =	vst.idx.add.f32.msk $0xffff, v1  }
0x123: {  	s11 =	sadd.s32 $0x80, s11;
	s12 =	sadd.s32 $0x80, s12;
	s13 =	sadd.s32 $0x80, s13;
	[tilespmem:v27+s25+$0x0] =	vst.idx.add.f32.msk $0xffff, v62  }
0x124: {  	s14 =	sadd.s32 $0x80, s14;
	s15 =	sadd.s32 $0x80, s15;
	s16 =	sadd.s32 $0x80, s16;
	[tilespmem:v27+s26+$0x0] =	vst.idx.add.f32.msk $0xffff, v63  }
0x125: {  	s10 =	simm.s32 $0x80;
	s11 =	simm.s32 $0x400;
	s12 =	simm.s32 $0x8200  }
0x126: {  	[hbm4b:s9+s10] =	stream.strided.scatter [tilespmem:s12], [sflag:$0x3], $0x800, s11, s10, $0x38;
	[tilespmem:$0xC200] =	vst v63  }
0x127: {  	s25 =	simm.s32 $0x8A00  }
0x128: {  	[hbm4b:s7+s10] =	stream.strided.scatter [tilespmem:s25], [sflag:$0x3], $0x800, s11, s10, $0x38;
	[tilespmem:$0xC200] =	vst v63  }
0x129: {  	s26 =	simm.s32 $0x9200  }
0x12a: {  	[hbm4b:s8+s10] =	stream.strided.scatter [tilespmem:s26], [sflag:$0x3], $0x800, s11, s10, $0x38;
	[tilespmem:$0xC200] =	vst v63  }
0x12b: {  	s28 =	simm.s32 $0x9A00  }
0x12c: {  	[hbm4b:s6+s10] =	stream.strided.scatter [tilespmem:s28], [sflag:$0x3], $0x800, s11, s10, $0x38;
	[tilespmem:$0xC200] =	vst v63  }
0x12d: {  	s29 =	simm.s32 $0xA200  }
0x12e: {  	[hbm4b:s4+s10] =	stream.strided.scatter [tilespmem:s29], [sflag:$0x3], $0x800, s11, s10, $0x38;
	[tilespmem:$0xC200] =	vst v63  }
0x12f: {  	s30 =	simm.s32 $0xAA00;
	s4 =	simm.s32 @p1 $0x2  }
0x130: {  	[hbm4b:s5+s10] =	stream.strided.scatter [tilespmem:s30], [sflag:$0x3], $0x800, s11, s10, $0x38;
	[tilespmem:$0xC200] =	vst v63  }
0x131: {  	_ =	swait.ge @p1 [sflag:s4], $0x800  }
0x132: {  	s6 =	simm.s32 @p1 $0xBA00;
	[sflag:s4] =	ssyncset.done @p1 $0x0  }
0x133: {  	s5 =	simm.s32 @p1 $0x100;
	[sflag:s4] =	ssyncadd.s32 @p1 $0xFFFFF800;
	s4 =	simm.s32 @p1 $0x80  }
0x134: {  	[hbm4b:s2+s4] =	stream.strided.scatter @p1 [tilespmem:s6], [sflag:$0x4], $0x800, s5, s4, $0x38;
	[tilespmem:$0xC200] =	vst v63  }
0x135: {  	s2 =	simm.s32 @p1 $0x4  }
0x136: {  	_ =	swait.ge @p1 [sflag:s2], $0x800  }
0x137: {  	[sflag:s2] =	ssyncset.done @p1 $0x0  }
0x138: {  	[sflag:s2] =	ssyncadd.s32 @p1 $0xFFFFF800;
	s2 =	simm.s32 @p0 $0x2  }
0x139: {  	_ =	swait.ge @p0 [sflag:s2], $0x800  }
0x13a: {  	s4 =	simm.s32 @p0 $0x100;
	[sflag:s2] =	ssyncset.done @p0 $0x0  }
0x13b: {  	s5 =	simm.s32 @p0 $0xBA00;
	[sflag:s2] =	ssyncadd.s32 @p0 $0xFFFFF800;
	s2 =	simm.s32 @p0 $0x80  }
0x13c: {  	[hbm4b:s3+s2] =	stream.strided.scatter @p0 [tilespmem:s5], [sflag:$0x4], $0x800, s4, s2, $0x38;
	[tilespmem:$0xC200] =	vst v63  }
0x13d: {  	s2 =	simm.s32 @p0 $0x4  }
0x13e: {  	_ =	swait.ge @p0 [sflag:s2], $0x800  }
0x13f: {  	[sflag:s2] =	ssyncset.done @p0 $0x0  }
0x140: {  	s31 =	simm.s32 $0x3;
	[sflag:s2] =	ssyncadd.s32 @p0 $0xFFFFF800  }
0x141: {  	_ =	swait.ge [sflag:s31], $0x800  }
0x142: {  	[sflag:s31] =	ssyncset.done $0x0  }
0x143: {  	[sflag:s31] =	ssyncadd.s32 $0xFFFFF800  }
0x144: {  	_ =	swait.ge [sflag:s31], $0x800  }
0x145: {  	[sflag:s31] =	ssyncset.done $0x0  }
0x146: {  	[sflag:s31] =	ssyncadd.s32 $0xFFFFF800  }
0x147: {  	_ =	swait.ge [sflag:s31], $0x800  }
0x148: {  	[sflag:s31] =	ssyncset.done $0x0  }
0x149: {  	[sflag:s31] =	ssyncadd.s32 $0xFFFFF800  }
0x14a: {  	_ =	swait.ge [sflag:s31], $0x800  }
0x14b: {  	[sflag:s31] =	ssyncset.done $0x0  }
0x14c: {  	[sflag:s31] =	ssyncadd.s32 $0xFFFFF800  }
0x14d: {  	_ =	swait.ge [sflag:s31], $0x800  }
0x14e: {  	[sflag:s31] =	ssyncset.done $0x0  }
0x14f: {  	[sflag:s31] =	ssyncadd.s32 $0xFFFFF800  }
0x150: {  	_ =	swait.ge [sflag:s31], $0x800  }
0x151: {  	[sflag:s31] =	ssyncset.done $0x0  }
0x152: {  	[sflag:s31] =	ssyncadd.s32 $0xFFFFF800  }
0x153: {  	_ =	sfence.sel $0x180000  }
0x154: {  	[bflag:$0x0] =	sbarrier.arrive $0xFFFF  }
0x155: {  	p0 =	sne.s32 s1, $0x0;
	_ =	strace $0x90000047  }
0x156: {  	s0 =	sadd.s32 @!p0 $0x100000, s0;
	[bflag:$0x2] =	sbarrier.arrive $0xFFFF  }
0x157: {  	[sflag:s0] =	ssyncadd.tile.s32 @!p0 $0x1;
	_ =	shalt  }
.Lfunc_end2:
_tile_overlayer_lowered:
.L_overlay_start_2:
0x158: {  	(tag) =	ssettag $0x2  }
0x159: {  	s0 =	rddreg [dreg:$0x0];
	s2 =	stileid.u32  }
0x15a: {  	s1 =	rddreg [dreg:$0x1];
	p0 =	sne.s32 s2, $0x0  }
0x15b: {  	s3 =	rddreg [dreg:$0x2];
	[bflag:$0x3] =	sbarrier.arrive $0xFFFF;
	s2 =	simm.s32 @!p0 $0x1C04  }
0x15c: {  	[timem:s3], [sflag:s2] =	dma.local @!p0 [hbm:s0], s1  }
0x15d: {  	s0 =	simm.s32 @!p0 $0x4  }
0x15e: {  	_ =	swait.ge @!p0 [sflag:s0], s1  }
0x15f: {  	s1 =	ssub.s32 @!p0 $0x0, s1;
	[sflag:s0] =	ssyncset.done @!p0 $0x0  }
0x160: {  	[sflag:s0] =	ssyncadd.s32 @!p0 s1  }
0x161: {  	[bflag:$0x3] =	sbarrier.arrive $0xFFFF  }
0x162: {  	_ =	shalt  }

</sc_bundles>
